<compile_context>
chip_gen: v7x
topology: tpu7x:2x2x1
jax: 0.10.2.dev20260603
libtpu: 0.0.44.dev20260713+nightly
codegen_flags: <defaults>
</compile_context>

<pallas_src>
import functools

import jax
import jax.numpy as jnp
from jax import lax
from jax.experimental import pallas as pl
from jax.experimental.pallas import tpu as pltpu
from jax.experimental.pallas import tpu_sc as plsc

VOCAB = 37
HIDDEN = 128
NC, NS = 2, 16
NW = NC * NS
B = 4096 * 200
B_PER_W = B // NW
CHUNK = 128
N_CHUNKS = B_PER_W // CHUNK
NBUF = 6
PF = 4
IDX_ROWS_PER_W = B_PER_W // CHUNK

_mesh = plsc.VectorSubcoreMesh(core_axis_name="c", subcore_axis_name="s")


@functools.partial(
    pl.kernel,
    mesh=_mesh,
    out_type=jax.ShapeDtypeStruct((B, HIDDEN), jnp.float32),
    scratch_types=[
        pltpu.VMEM_SHARED((VOCAB, HIDDEN), jnp.float32),
        pltpu.VMEM((IDX_ROWS_PER_W, CHUNK), jnp.int32),
        pltpu.VMEM((NBUF, CHUNK, HIDDEN), jnp.float32),
        pltpu.VMEM((HIDDEN,), jnp.float32),
        pltpu.SemaphoreType.DMA,
        pltpu.SemaphoreType.DMA,
    ],
)
def _embed_gather(idx_hbm, table_hbm, out_hbm, table_sp, idx_v, rows_v, zrow_v,
                  gsem, wsem):
    cid = lax.axis_index("c")
    sid = lax.axis_index("s")
    wid = sid * NC + cid
    base = wid * B_PER_W

    @pl.when(sid == 0)
    def _():
        pltpu.sync_copy(table_hbm, table_sp)
        for t in range(HIDDEN // 16):
            zrow_v[pl.ds(t * 16, 16)] = jnp.zeros((16,), jnp.float32)
        pltpu.sync_copy(zrow_v, table_sp.at[0])

    pltpu.sync_copy(
        idx_hbm.at[pl.ds(wid * IDX_ROWS_PER_W, IDX_ROWS_PER_W)], idx_v)
    plsc.subcore_barrier()

    def fire_gather(c, p):
        pltpu.async_copy(table_sp.at[idx_v.at[c]], rows_v.at[p], gsem)

    def wait_gather(p):
        pltpu.make_async_copy(
            table_sp.at[idx_v.at[0]], rows_v.at[p], gsem).wait()

    def fire_write(c, p):
        pltpu.async_copy(
            rows_v.at[p], out_hbm.at[pl.ds(base + c * CHUNK, CHUNK)], wsem)

    def wait_write(p):
        pltpu.make_async_copy(
            rows_v.at[p], out_hbm.at[pl.ds(base, CHUNK)], wsem).wait()

    def step(c, p, wait_prev_write, prefetch):
        wait_gather(p)
        fire_write(c, p)
        if prefetch:
            fire_gather(c + PF, (p + PF) % NBUF)
        if wait_prev_write:
            wait_write((p - 1) % NBUF)

    for c in range(PF):
        fire_gather(c, c)
    step(0, 0, False, True)
    for c in range(1, PF):
        step(c, c, True, True)

    def body(g, _):
        for u in range(NBUF):
            c = PF + NBUF * g + u
            step(c, (PF + u) % NBUF, True, True)
        return ()

    lax.fori_loop(0, (N_CHUNKS - 2 * PF) // NBUF, body, ())

    for c in range(N_CHUNKS - PF, N_CHUNKS):
        step(c, c % NBUF, True, False)
    wait_write((N_CHUNKS - 1) % NBUF)


def kernel(indices, table):
    idx2d = indices.reshape(B // CHUNK, CHUNK)
    out = _embed_gather(idx2d, table)
    return out.reshape(4096, 200, HIDDEN)

# --- scband reference (transcript-rebuilt; emitter-appended) ---
"""Pipeline reference for scband-output-embedding-16527034155426 (READ-ONLY COPY).

The authoritative reference and input builder live on the scoring server;
editing this copy changes nothing except your own understanding.
"""

import jax, jax.numpy as jnp
import numpy as np

VOCAB = 37
HIDDEN = 128

def setup_inputs(seed: int = 0) -> dict:
    key = jax.random.key(seed)
    k1, k2 = jax.random.split(key)
    indices = jax.random.randint(k1, (4096, 200), 0, VOCAB)
    table = jax.random.normal(k2, (VOCAB, HIDDEN), dtype=jnp.float32)
    # padding_idx=0: embedding row 0 is zeros
    table = table.at[0].set(0.0)
    return {"indices": indices, "table": table}

def reference(indices, table):
    # nn.Embedding lookup with padding_idx=0 (row 0 forced to zero)
    mask = jnp.ones((table.shape[0], 1), dtype=table.dtype).at[0].set(0.0)
    emb = jnp.take(table * mask, indices, axis=0)
    return emb

if __name__ == "__main__":
    import jax
    _d = setup_inputs()
    print(jax.jit(kernel)(*tuple(_d.values())))

</pallas_src>

<mosaic_0001>
#map = affine_map<(d0, d1) -> (0, 0)>
module attributes {stable_mosaic.version = 14 : i64} {
  func.func @_embed_gather(%arg0: i32, %arg1: i32, %arg2: memref<6400x128xi32, #tpu.memory_space<hbm>>, %arg3: memref<37x128xf32, #tpu.memory_space<hbm>>, %arg4: memref<819200x128xf32, #tpu.memory_space<hbm>>, %arg5: memref<37x128xf32, #tpu.memory_space<vmem_shared>>, %arg6: memref<200x128xi32, #tpu.memory_space<vmem>>, %arg7: memref<6x128x128xf32, #tpu.memory_space<vmem>>, %arg8: memref<128xf32, #tpu.memory_space<vmem>>, %arg9: memref<!tpu.dma_semaphore, #tpu.memory_space<semaphore_mem>>, %arg10: memref<!tpu.dma_semaphore, #tpu.memory_space<semaphore_mem>>) attributes {dimension_semantics = [#tpu.dimension_semantics<core_parallel>, #tpu.dimension_semantics<subcore_parallel>], iteration_bounds = array<i64: 2, 16>, scalar_prefetch = 0 : i64, scratch_operands = 6 : i64, tpu.core_type = #tpu.core_type<sc_vector_subcore>, window_params = [{transform_indices = #map}, {transform_indices = #map}, {transform_indices = #map}]} {
    %mul3A = arith.constant 2 : i32
    %mul3A_0 = arith.muli %arg1, %mul3A : i32
    %add3A = arith.addi %mul3A_0, %arg0 : i32
    %mul3A_1 = arith.constant 25600 : i32
    %mul3A_2 = arith.muli %add3A, %mul3A_1 : i32
    %eq3A = arith.constant 0 : i32
    %eq3A_3 = arith.cmpi eq, %arg1, %eq3A : i32
    %convert_element_type3A = arith.extui %eq3A_3 : i1 to i32
    %cond3A = arith.constant 0 : i32
    %cond3A_4 = arith.cmpi ne, %convert_element_type3A, %cond3A : i32
    scf.if %cond3A_4 {
      "tpu.region"() ({
        %run_scoped3A_471 = tpu.sem_alloc : memref<!tpu.dma_semaphore, #tpu.memory_space<semaphore_mem>>
        tpu.enqueue_dma source(%arg3 : memref<37x128xf32, #tpu.memory_space<hbm>>) target(%arg5 : memref<37x128xf32, #tpu.memory_space<vmem_shared>>) target_semaphore(%run_scoped3A_471 : memref<!tpu.dma_semaphore, #tpu.memory_space<semaphore_mem>>)
        tpu.wait_dma2 semaphore(%run_scoped3A_471 : memref<!tpu.dma_semaphore, #tpu.memory_space<semaphore_mem>>) src(%arg3 : memref<37x128xf32, #tpu.memory_space<hbm>>) dst(%arg5 : memref<37x128xf32, #tpu.memory_space<vmem_shared>>)
        tpu.yield
      }) : () -> ()
      %broadcast_in_dim3A = arith.constant 0.000000e+00 : f32
      %broadcast_in_dim3A_425 = vector.broadcast %broadcast_in_dim3A : f32 to vector<16xf32>
      %swap3A = arith.constant 0 : index
      %swap3A_426 = tpu.vector_load %arg8[%swap3A] {strides = array<i32>} : memref<128xf32, #tpu.memory_space<vmem>>, vector<16xf32>,
      %swap3A_427 = vector.shape_cast %swap3A_426 : vector<16xf32> to vector<16xf32>
      %swap3A_428 = vector.shape_cast %broadcast_in_dim3A_425 : vector<16xf32> to vector<16xf32>
      tpu.vector_store %arg8[%swap3A], %swap3A_428 {strides = array<i32>} : memref<128xf32, #tpu.memory_space<vmem>>, vector<16xf32>,
      %broadcast_in_dim3A_429 = arith.constant 0.000000e+00 : f32
      %broadcast_in_dim3A_430 = vector.broadcast %broadcast_in_dim3A_429 : f32 to vector<16xf32>
      %swap3A_431 = arith.constant 16 : index
      %swap3A_432 = tpu.vector_load %arg8[%swap3A_431] {strides = array<i32>} : memref<128xf32, #tpu.memory_space<vmem>>, vector<16xf32>,
      %swap3A_433 = vector.shape_cast %swap3A_432 : vector<16xf32> to vector<16xf32>
      %swap3A_434 = vector.shape_cast %broadcast_in_dim3A_430 : vector<16xf32> to vector<16xf32>
      tpu.vector_store %arg8[%swap3A_431], %swap3A_434 {strides = array<i32>} : memref<128xf32, #tpu.memory_space<vmem>>, vector<16xf32>,
      %broadcast_in_dim3A_435 = arith.constant 0.000000e+00 : f32
      %broadcast_in_dim3A_436 = vector.broadcast %broadcast_in_dim3A_435 : f32 to vector<16xf32>
      %swap3A_437 = arith.constant 32 : index
      %swap3A_438 = tpu.vector_load %arg8[%swap3A_437] {strides = array<i32>} : memref<128xf32, #tpu.memory_space<vmem>>, vector<16xf32>,
      %swap3A_439 = vector.shape_cast %swap3A_438 : vector<16xf32> to vector<16xf32>
      %swap3A_440 = vector.shape_cast %broadcast_in_dim3A_436 : vector<16xf32> to vector<16xf32>
      tpu.vector_store %arg8[%swap3A_437], %swap3A_440 {strides = array<i32>} : memref<128xf32, #tpu.memory_space<vmem>>, vector<16xf32>,
      %broadcast_in_dim3A_441 = arith.constant 0.000000e+00 : f32
      %broadcast_in_dim3A_442 = vector.broadcast %broadcast_in_dim3A_441 : f32 to vector<16xf32>
      %swap3A_443 = arith.constant 48 : index
      %swap3A_444 = tpu.vector_load %arg8[%swap3A_443] {strides = array<i32>} : memref<128xf32, #tpu.memory_space<vmem>>, vector<16xf32>,
      %swap3A_445 = vector.shape_cast %swap3A_444 : vector<16xf32> to vector<16xf32>
      %swap3A_446 = vector.shape_cast %broadcast_in_dim3A_442 : vector<16xf32> to vector<16xf32>
      tpu.vector_store %arg8[%swap3A_443], %swap3A_446 {strides = array<i32>} : memref<128xf32, #tpu.memory_space<vmem>>, vector<16xf32>,
      %broadcast_in_dim3A_447 = arith.constant 0.000000e+00 : f32
      %broadcast_in_dim3A_448 = vector.broadcast %broadcast_in_dim3A_447 : f32 to vector<16xf32>
      %swap3A_449 = arith.constant 64 : index
      %swap3A_450 = tpu.vector_load %arg8[%swap3A_449] {strides = array<i32>} : memref<128xf32, #tpu.memory_space<vmem>>, vector<16xf32>,
      %swap3A_451 = vector.shape_cast %swap3A_450 : vector<16xf32> to vector<16xf32>
      %swap3A_452 = vector.shape_cast %broadcast_in_dim3A_448 : vector<16xf32> to vector<16xf32>
      tpu.vector_store %arg8[%swap3A_449], %swap3A_452 {strides = array<i32>} : memref<128xf32, #tpu.memory_space<vmem>>, vector<16xf32>,
      %broadcast_in_dim3A_453 = arith.constant 0.000000e+00 : f32
      %broadcast_in_dim3A_454 = vector.broadcast %broadcast_in_dim3A_453 : f32 to vector<16xf32>
      %swap3A_455 = arith.constant 80 : index
      %swap3A_456 = tpu.vector_load %arg8[%swap3A_455] {strides = array<i32>} : memref<128xf32, #tpu.memory_space<vmem>>, vector<16xf32>,
      %swap3A_457 = vector.shape_cast %swap3A_456 : vector<16xf32> to vector<16xf32>
      %swap3A_458 = vector.shape_cast %broadcast_in_dim3A_454 : vector<16xf32> to vector<16xf32>
      tpu.vector_store %arg8[%swap3A_455], %swap3A_458 {strides = array<i32>} : memref<128xf32, #tpu.memory_space<vmem>>, vector<16xf32>,
      %broadcast_in_dim3A_459 = arith.constant 0.000000e+00 : f32
      %broadcast_in_dim3A_460 = vector.broadcast %broadcast_in_dim3A_459 : f32 to vector<16xf32>
      %swap3A_461 = arith.constant 96 : index
      %swap3A_462 = tpu.vector_load %arg8[%swap3A_461] {strides = array<i32>} : memref<128xf32, #tpu.memory_space<vmem>>, vector<16xf32>,
      %swap3A_463 = vector.shape_cast %swap3A_462 : vector<16xf32> to vector<16xf32>
      %swap3A_464 = vector.shape_cast %broadcast_in_dim3A_460 : vector<16xf32> to vector<16xf32>
      tpu.vector_store %arg8[%swap3A_461], %swap3A_464 {strides = array<i32>} : memref<128xf32, #tpu.memory_space<vmem>>, vector<16xf32>,
      %broadcast_in_dim3A_465 = arith.constant 0.000000e+00 : f32
      %broadcast_in_dim3A_466 = vector.broadcast %broadcast_in_dim3A_465 : f32 to vector<16xf32>
      %swap3A_467 = arith.constant 112 : index
      %swap3A_468 = tpu.vector_load %arg8[%swap3A_467] {strides = array<i32>} : memref<128xf32, #tpu.memory_space<vmem>>, vector<16xf32>,
      %swap3A_469 = vector.shape_cast %swap3A_468 : vector<16xf32> to vector<16xf32>
      %swap3A_470 = vector.shape_cast %broadcast_in_dim3A_466 : vector<16xf32> to vector<16xf32>
      tpu.vector_store %arg8[%swap3A_467], %swap3A_470 {strides = array<i32>} : memref<128xf32, #tpu.memory_space<vmem>>, vector<16xf32>,
      %run_scoped3A = arith.constant 0 : i32
      "tpu.region"() ({
        %run_scoped3A_471 = tpu.sem_alloc : memref<!tpu.dma_semaphore, #tpu.memory_space<semaphore_mem>>
        %dma_start3A_472 = arith.constant 0 : i32
        %dma_start3A_473 = tpu.memref_slice %arg5[%run_scoped3A, %dma_start3A_472] : memref<37x128xf32, #tpu.memory_space<vmem_shared>> -> memref<1x128xf32, #tpu.memory_space<vmem_shared>>
        %dma_start3A_474 = tpu.memref_squeeze %dma_start3A_473 : memref<1x128xf32, #tpu.memory_space<vmem_shared>> -> memref<128xf32, #tpu.memory_space<vmem_shared>>
        %dma_start3A_475 = arith.constant 0 : i32
        %dma_start3A_476 = tpu.memref_slice %arg5[%run_scoped3A, %dma_start3A_475] : memref<37x128xf32, #tpu.memory_space<vmem_shared>> -> memref<1x128xf32, #tpu.memory_space<vmem_shared>>
        %dma_start3A_477 = tpu.memref_squeeze %dma_start3A_476 : memref<1x128xf32, #tpu.memory_space<vmem_shared>> -> memref<128xf32, #tpu.memory_space<vmem_shared>>
        tpu.enqueue_dma source(%arg8 : memref<128xf32, #tpu.memory_space<vmem>>) target(%dma_start3A_477 : memref<128xf32, #tpu.memory_space<vmem_shared>>) target_semaphore(%run_scoped3A_471 : memref<!tpu.dma_semaphore, #tpu.memory_space<semaphore_mem>>)
        %dma_wait3A_478 = arith.constant 0 : i32
        %dma_wait3A_479 = tpu.memref_slice %arg5[%run_scoped3A, %dma_wait3A_478] : memref<37x128xf32, #tpu.memory_space<vmem_shared>> -> memref<1x128xf32, #tpu.memory_space<vmem_shared>>
        %dma_wait3A_480 = tpu.memref_squeeze %dma_wait3A_479 : memref<1x128xf32, #tpu.memory_space<vmem_shared>> -> memref<128xf32, #tpu.memory_space<vmem_shared>>
        %dma_wait3A_481 = arith.constant 0 : i32
        %dma_wait3A_482 = tpu.memref_slice %arg5[%run_scoped3A, %dma_wait3A_481] : memref<37x128xf32, #tpu.memory_space<vmem_shared>> -> memref<1x128xf32, #tpu.memory_space<vmem_shared>>
        %dma_wait3A_483 = tpu.memref_squeeze %dma_wait3A_482 : memref<1x128xf32, #tpu.memory_space<vmem_shared>> -> memref<128xf32, #tpu.memory_space<vmem_shared>>
        tpu.wait_dma2 semaphore(%run_scoped3A_471 : memref<!tpu.dma_semaphore, #tpu.memory_space<semaphore_mem>>) src(%arg8 : memref<128xf32, #tpu.memory_space<vmem>>) dst(%dma_wait3A_483 : memref<128xf32, #tpu.memory_space<vmem_shared>>)
        tpu.yield
      }) : () -> ()
    } else {
    }
    %mul3A_5 = arith.constant 200 : i32
    %mul3A_6 = arith.muli %add3A, %mul3A_5 : i32
    "tpu.region"() ({
      %run_scoped3A = tpu.sem_alloc : memref<!tpu.dma_semaphore, #tpu.memory_space<semaphore_mem>>
      %dma_start3A_425 = arith.constant 0 : i32
      %dma_start3A_426 = tpu.memref_slice %arg2[%mul3A_6, %dma_start3A_425] : memref<6400x128xi32, #tpu.memory_space<hbm>> -> memref<200x128xi32, #tpu.memory_space<hbm>>
      %dma_start3A_427 = arith.constant 0 : i32
      %dma_start3A_428 = tpu.memref_slice %arg2[%mul3A_6, %dma_start3A_427] : memref<6400x128xi32, #tpu.memory_space<hbm>> -> memref<200x128xi32, #tpu.memory_space<hbm>>
      tpu.enqueue_dma source(%dma_start3A_428 : memref<200x128xi32, #tpu.memory_space<hbm>>) target(%arg6 : memref<200x128xi32, #tpu.memory_space<vmem>>) target_semaphore(%run_scoped3A : memref<!tpu.dma_semaphore, #tpu.memory_space<semaphore_mem>>)
      %dma_wait3A_429 = arith.constant 0 : i32
      %dma_wait3A_430 = tpu.memref_slice %arg2[%mul3A_6, %dma_wait3A_429] : memref<6400x128xi32, #tpu.memory_space<hbm>> -> memref<200x128xi32, #tpu.memory_space<hbm>>
      %dma_wait3A_431 = arith.constant 0 : i32
      %dma_wait3A_432 = tpu.memref_slice %arg2[%mul3A_6, %dma_wait3A_431] : memref<6400x128xi32, #tpu.memory_space<hbm>> -> memref<200x128xi32, #tpu.memory_space<hbm>>
      tpu.wait_dma2 semaphore(%run_scoped3A : memref<!tpu.dma_semaphore, #tpu.memory_space<semaphore_mem>>) src(%dma_wait3A_432 : memref<200x128xi32, #tpu.memory_space<hbm>>) dst(%arg6 : memref<200x128xi32, #tpu.memory_space<vmem>>)
      tpu.yield
    }) : () -> ()
    %barrier3A = arith.constant 0 : index
    tpu.barrier barrier_id(%barrier3A)
    %dma_start3A = arith.constant 0 : i32
    %dma_start3A_7 = arith.constant 0 : i32
    %dma_start3A_8 = arith.constant 0 : i32
    %dma_start3A_9 = arith.constant 0 : i32
    %dma_start3A_10 = tpu.memref_slice %arg7[%dma_start3A_7, %dma_start3A_8, %dma_start3A_9] : memref<6x128x128xf32, #tpu.memory_space<vmem>> -> memref<1x128x128xf32, #tpu.memory_space<vmem>>
    %dma_start3A_11 = tpu.memref_squeeze %dma_start3A_10 : memref<1x128x128xf32, #tpu.memory_space<vmem>> -> memref<128x128xf32, #tpu.memory_space<vmem>>
    %dma_start3A_12 = arith.constant 0 : i32
    %dma_start3A_13 = tpu.memref_slice %arg6[%dma_start3A, %dma_start3A_12] : memref<200x128xi32, #tpu.memory_space<vmem>> -> memref<1x128xi32, #tpu.memory_space<vmem>>
    %dma_start3A_14 = tpu.memref_squeeze %dma_start3A_13 : memref<1x128xi32, #tpu.memory_space<vmem>> -> memref<128xi32, #tpu.memory_space<vmem>>
    %dma_start3A_15 = arith.constant 0 : i32
    %dma_start3A_16 = arith.constant 0 : i32
    %dma_start3A_17 = tpu.memref_slice %arg5[%dma_start3A_15, %dma_start3A_16] : memref<37x128xf32, #tpu.memory_space<vmem_shared>> -> memref<37x128xf32, #tpu.memory_space<vmem_shared>>
    tpu.enqueue_indirect_dma source(%dma_start3A_17 : memref<37x128xf32, #tpu.memory_space<vmem_shared>>) target(%dma_start3A_11 : memref<128x128xf32, #tpu.memory_space<vmem>>) offsets(%dma_start3A_14 : memref<128xi32, #tpu.memory_space<vmem>>) semaphore(%arg9 : memref<!tpu.dma_semaphore, #tpu.memory_space<semaphore_mem>>)
    %dma_start3A_18 = arith.constant 1 : i32
    %dma_start3A_19 = arith.constant 1 : i32
    %dma_start3A_20 = arith.constant 0 : i32
    %dma_start3A_21 = arith.constant 0 : i32
    %dma_start3A_22 = tpu.memref_slice %arg7[%dma_start3A_19, %dma_start3A_20, %dma_start3A_21] : memref<6x128x128xf32, #tpu.memory_space<vmem>> -> memref<1x128x128xf32, #tpu.memory_space<vmem>>
    %dma_start3A_23 = tpu.memref_squeeze %dma_start3A_22 : memref<1x128x128xf32, #tpu.memory_space<vmem>> -> memref<128x128xf32, #tpu.memory_space<vmem>>
    %dma_start3A_24 = arith.constant 0 : i32
    %dma_start3A_25 = tpu.memref_slice %arg6[%dma_start3A_18, %dma_start3A_24] : memref<200x128xi32, #tpu.memory_space<vmem>> -> memref<1x128xi32, #tpu.memory_space<vmem>>
    %dma_start3A_26 = tpu.memref_squeeze %dma_start3A_25 : memref<1x128xi32, #tpu.memory_space<vmem>> -> memref<128xi32, #tpu.memory_space<vmem>>
    %dma_start3A_27 = arith.constant 0 : i32
    %dma_start3A_28 = arith.constant 0 : i32
    %dma_start3A_29 = tpu.memref_slice %arg5[%dma_start3A_27, %dma_start3A_28] : memref<37x128xf32, #tpu.memory_space<vmem_shared>> -> memref<37x128xf32, #tpu.memory_space<vmem_shared>>
    tpu.enqueue_indirect_dma source(%dma_start3A_29 : memref<37x128xf32, #tpu.memory_space<vmem_shared>>) target(%dma_start3A_23 : memref<128x128xf32, #tpu.memory_space<vmem>>) offsets(%dma_start3A_26 : memref<128xi32, #tpu.memory_space<vmem>>) semaphore(%arg9 : memref<!tpu.dma_semaphore, #tpu.memory_space<semaphore_mem>>)
    %dma_start3A_30 = arith.constant 2 : i32
    %dma_start3A_31 = arith.constant 2 : i32
    %dma_start3A_32 = arith.constant 0 : i32
    %dma_start3A_33 = arith.constant 0 : i32
    %dma_start3A_34 = tpu.memref_slice %arg7[%dma_start3A_31, %dma_start3A_32, %dma_start3A_33] : memref<6x128x128xf32, #tpu.memory_space<vmem>> -> memref<1x128x128xf32, #tpu.memory_space<vmem>>
    %dma_start3A_35 = tpu.memref_squeeze %dma_start3A_34 : memref<1x128x128xf32, #tpu.memory_space<vmem>> -> memref<128x128xf32, #tpu.memory_space<vmem>>
    %dma_start3A_36 = arith.constant 0 : i32
    %dma_start3A_37 = tpu.memref_slice %arg6[%dma_start3A_30, %dma_start3A_36] : memref<200x128xi32, #tpu.memory_space<vmem>> -> memref<1x128xi32, #tpu.memory_space<vmem>>
    %dma_start3A_38 = tpu.memref_squeeze %dma_start3A_37 : memref<1x128xi32, #tpu.memory_space<vmem>> -> memref<128xi32, #tpu.memory_space<vmem>>
    %dma_start3A_39 = arith.constant 0 : i32
    %dma_start3A_40 = arith.constant 0 : i32
    %dma_start3A_41 = tpu.memref_slice %arg5[%dma_start3A_39, %dma_start3A_40] : memref<37x128xf32, #tpu.memory_space<vmem_shared>> -> memref<37x128xf32, #tpu.memory_space<vmem_shared>>
    tpu.enqueue_indirect_dma source(%dma_start3A_41 : memref<37x128xf32, #tpu.memory_space<vmem_shared>>) target(%dma_start3A_35 : memref<128x128xf32, #tpu.memory_space<vmem>>) offsets(%dma_start3A_38 : memref<128xi32, #tpu.memory_space<vmem>>) semaphore(%arg9 : memref<!tpu.dma_semaphore, #tpu.memory_space<semaphore_mem>>)
    %dma_start3A_42 = arith.constant 3 : i32
    %dma_start3A_43 = arith.constant 3 : i32
    %dma_start3A_44 = arith.constant 0 : i32
    %dma_start3A_45 = arith.constant 0 : i32
    %dma_start3A_46 = tpu.memref_slice %arg7[%dma_start3A_43, %dma_start3A_44, %dma_start3A_45] : memref<6x128x128xf32, #tpu.memory_space<vmem>> -> memref<1x128x128xf32, #tpu.memory_space<vmem>>
    %dma_start3A_47 = tpu.memref_squeeze %dma_start3A_46 : memref<1x128x128xf32, #tpu.memory_space<vmem>> -> memref<128x128xf32, #tpu.memory_space<vmem>>
    %dma_start3A_48 = arith.constant 0 : i32
    %dma_start3A_49 = tpu.memref_slice %arg6[%dma_start3A_42, %dma_start3A_48] : memref<200x128xi32, #tpu.memory_space<vmem>> -> memref<1x128xi32, #tpu.memory_space<vmem>>
    %dma_start3A_50 = tpu.memref_squeeze %dma_start3A_49 : memref<1x128xi32, #tpu.memory_space<vmem>> -> memref<128xi32, #tpu.memory_space<vmem>>
    %dma_start3A_51 = arith.constant 0 : i32
    %dma_start3A_52 = arith.constant 0 : i32
    %dma_start3A_53 = tpu.memref_slice %arg5[%dma_start3A_51, %dma_start3A_52] : memref<37x128xf32, #tpu.memory_space<vmem_shared>> -> memref<37x128xf32, #tpu.memory_space<vmem_shared>>
    tpu.enqueue_indirect_dma source(%dma_start3A_53 : memref<37x128xf32, #tpu.memory_space<vmem_shared>>) target(%dma_start3A_47 : memref<128x128xf32, #tpu.memory_space<vmem>>) offsets(%dma_start3A_50 : memref<128xi32, #tpu.memory_space<vmem>>) semaphore(%arg9 : memref<!tpu.dma_semaphore, #tpu.memory_space<semaphore_mem>>)
    %dma_wait3A = arith.constant 0 : i32
    %dma_wait3A_54 = arith.constant 0 : i32
    %dma_wait3A_55 = arith.constant 0 : i32
    %dma_wait3A_56 = arith.constant 0 : i32
    %dma_wait3A_57 = tpu.memref_slice %arg7[%dma_wait3A_54, %dma_wait3A_55, %dma_wait3A_56] : memref<6x128x128xf32, #tpu.memory_space<vmem>> -> memref<1x128x128xf32, #tpu.memory_space<vmem>>
    %dma_wait3A_58 = tpu.memref_squeeze %dma_wait3A_57 : memref<1x128x128xf32, #tpu.memory_space<vmem>> -> memref<128x128xf32, #tpu.memory_space<vmem>>
    %dma_wait3A_59 = arith.constant 0 : i32
    %dma_wait3A_60 = tpu.memref_slice %arg6[%dma_wait3A, %dma_wait3A_59] : memref<200x128xi32, #tpu.memory_space<vmem>> -> memref<1x128xi32, #tpu.memory_space<vmem>>
    %dma_wait3A_61 = tpu.memref_squeeze %dma_wait3A_60 : memref<1x128xi32, #tpu.memory_space<vmem>> -> memref<128xi32, #tpu.memory_space<vmem>>
    %dma_wait3A_62 = arith.constant 0 : i32
    %dma_wait3A_63 = arith.constant 0 : i32
    %dma_wait3A_64 = tpu.memref_slice %arg5[%dma_wait3A_62, %dma_wait3A_63] : memref<37x128xf32, #tpu.memory_space<vmem_shared>> -> memref<37x128xf32, #tpu.memory_space<vmem_shared>>
    tpu.wait_indirect_dma semaphore(%arg9 : memref<!tpu.dma_semaphore, #tpu.memory_space<semaphore_mem>>) src(%dma_wait3A_64 : memref<37x128xf32, #tpu.memory_space<vmem_shared>>) dst(%dma_wait3A_58 : memref<128x128xf32, #tpu.memory_space<vmem>>)
    %add3A_65 = arith.constant 0 : i32
    %add3A_66 = arith.addi %mul3A_2, %add3A_65 : i32
    %dma_start3A_67 = arith.constant 0 : i32
    %dma_start3A_68 = arith.constant 0 : i32
    %dma_start3A_69 = arith.constant 0 : i32
    %dma_start3A_70 = tpu.memref_slice %arg7[%dma_start3A_67, %dma_start3A_68, %dma_start3A_69] : memref<6x128x128xf32, #tpu.memory_space<vmem>> -> memref<1x128x128xf32, #tpu.memory_space<vmem>>
    %dma_start3A_71 = tpu.memref_squeeze %dma_start3A_70 : memref<1x128x128xf32, #tpu.memory_space<vmem>> -> memref<128x128xf32, #tpu.memory_space<vmem>>
    %dma_start3A_72 = arith.constant 0 : i32
    %dma_start3A_73 = tpu.memref_slice %arg4[%add3A_66, %dma_start3A_72] : memref<819200x128xf32, #tpu.memory_space<hbm>> -> memref<128x128xf32, #tpu.memory_space<hbm>>
    %dma_start3A_74 = arith.constant 0 : i32
    %dma_start3A_75 = tpu.memref_slice %arg4[%add3A_66, %dma_start3A_74] : memref<819200x128xf32, #tpu.memory_space<hbm>> -> memref<128x128xf32, #tpu.memory_space<hbm>>
    %dma_start3A_76 = arith.constant 0 : i32
    %dma_start3A_77 = arith.constant 0 : i32
    %dma_start3A_78 = tpu.memref_slice %arg7[%dma_start3A_67, %dma_start3A_76, %dma_start3A_77] : memref<6x128x128xf32, #tpu.memory_space<vmem>> -> memref<1x128x128xf32, #tpu.memory_space<vmem>>
    %dma_start3A_79 = tpu.memref_squeeze %dma_start3A_78 : memref<1x128x128xf32, #tpu.memory_space<vmem>> -> memref<128x128xf32, #tpu.memory_space<vmem>>
    tpu.enqueue_dma source(%dma_start3A_79 : memref<128x128xf32, #tpu.memory_space<vmem>>) target(%dma_start3A_75 : memref<128x128xf32, #tpu.memory_space<hbm>>) target_semaphore(%arg10 : memref<!tpu.dma_semaphore, #tpu.memory_space<semaphore_mem>>)
    %dma_start3A_80 = arith.constant 4 : i32
    %dma_start3A_81 = arith.constant 4 : i32
    %dma_start3A_82 = arith.constant 0 : i32
    %dma_start3A_83 = arith.constant 0 : i32
    %dma_start3A_84 = tpu.memref_slice %arg7[%dma_start3A_81, %dma_start3A_82, %dma_start3A_83] : memref<6x128x128xf32, #tpu.memory_space<vmem>> -> memref<1x128x128xf32, #tpu.memory_space<vmem>>
    %dma_start3A_85 = tpu.memref_squeeze %dma_start3A_84 : memref<1x128x128xf32, #tpu.memory_space<vmem>> -> memref<128x128xf32, #tpu.memory_space<vmem>>
    %dma_start3A_86 = arith.constant 0 : i32
    %dma_start3A_87 = tpu.memref_slice %arg6[%dma_start3A_80, %dma_start3A_86] : memref<200x128xi32, #tpu.memory_space<vmem>> -> memref<1x128xi32, #tpu.memory_space<vmem>>
    %dma_start3A_88 = tpu.memref_squeeze %dma_start3A_87 : memref<1x128xi32, #tpu.memory_space<vmem>> -> memref<128xi32, #tpu.memory_space<vmem>>
    %dma_start3A_89 = arith.constant 0 : i32
    %dma_start3A_90 = arith.constant 0 : i32
    %dma_start3A_91 = tpu.memref_slice %arg5[%dma_start3A_89, %dma_start3A_90] : memref<37x128xf32, #tpu.memory_space<vmem_shared>> -> memref<37x128xf32, #tpu.memory_space<vmem_shared>>
    tpu.enqueue_indirect_dma source(%dma_start3A_91 : memref<37x128xf32, #tpu.memory_space<vmem_shared>>) target(%dma_start3A_85 : memref<128x128xf32, #tpu.memory_space<vmem>>) offsets(%dma_start3A_88 : memref<128xi32, #tpu.memory_space<vmem>>) semaphore(%arg9 : memref<!tpu.dma_semaphore, #tpu.memory_space<semaphore_mem>>)
    %dma_wait3A_92 = arith.constant 0 : i32
    %dma_wait3A_93 = arith.constant 1 : i32
    %dma_wait3A_94 = arith.constant 0 : i32
    %dma_wait3A_95 = arith.constant 0 : i32
    %dma_wait3A_96 = tpu.memref_slice %arg7[%dma_wait3A_93, %dma_wait3A_94, %dma_wait3A_95] : memref<6x128x128xf32, #tpu.memory_space<vmem>> -> memref<1x128x128xf32, #tpu.memory_space<vmem>>
    %dma_wait3A_97 = tpu.memref_squeeze %dma_wait3A_96 : memref<1x128x128xf32, #tpu.memory_space<vmem>> -> memref<128x128xf32, #tpu.memory_space<vmem>>
    %dma_wait3A_98 = arith.constant 0 : i32
    %dma_wait3A_99 = tpu.memref_slice %arg6[%dma_wait3A_92, %dma_wait3A_98] : memref<200x128xi32, #tpu.memory_space<vmem>> -> memref<1x128xi32, #tpu.memory_space<vmem>>
    %dma_wait3A_100 = tpu.memref_squeeze %dma_wait3A_99 : memref<1x128xi32, #tpu.memory_space<vmem>> -> memref<128xi32, #tpu.memory_space<vmem>>
    %dma_wait3A_101 = arith.constant 0 : i32
    %dma_wait3A_102 = arith.constant 0 : i32
    %dma_wait3A_103 = tpu.memref_slice %arg5[%dma_wait3A_101, %dma_wait3A_102] : memref<37x128xf32, #tpu.memory_space<vmem_shared>> -> memref<37x128xf32, #tpu.memory_space<vmem_shared>>
    tpu.wait_indirect_dma semaphore(%arg9 : memref<!tpu.dma_semaphore, #tpu.memory_space<semaphore_mem>>) src(%dma_wait3A_103 : memref<37x128xf32, #tpu.memory_space<vmem_shared>>) dst(%dma_wait3A_97 : memref<128x128xf32, #tpu.memory_space<vmem>>)
    %add3A_104 = arith.constant 128 : i32
    %add3A_105 = arith.addi %mul3A_2, %add3A_104 : i32
    %dma_start3A_106 = arith.constant 1 : i32
    %dma_start3A_107 = arith.constant 0 : i32
    %dma_start3A_108 = arith.constant 0 : i32
    %dma_start3A_109 = tpu.memref_slice %arg7[%dma_start3A_106, %dma_start3A_107, %dma_start3A_108] : memref<6x128x128xf32, #tpu.memory_space<vmem>> -> memref<1x128x128xf32, #tpu.memory_space<vmem>>
    %dma_start3A_110 = tpu.memref_squeeze %dma_start3A_109 : memref<1x128x128xf32, #tpu.memory_space<vmem>> -> memref<128x128xf32, #tpu.memory_space<vmem>>
    %dma_start3A_111 = arith.constant 0 : i32
    %dma_start3A_112 = tpu.memref_slice %arg4[%add3A_105, %dma_start3A_111] : memref<819200x128xf32, #tpu.memory_space<hbm>> -> memref<128x128xf32, #tpu.memory_space<hbm>>
    %dma_start3A_113 = arith.constant 0 : i32
    %dma_start3A_114 = tpu.memref_slice %arg4[%add3A_105, %dma_start3A_113] : memref<819200x128xf32, #tpu.memory_space<hbm>> -> memref<128x128xf32, #tpu.memory_space<hbm>>
    %dma_start3A_115 = arith.constant 0 : i32
    %dma_start3A_116 = arith.constant 0 : i32
    %dma_start3A_117 = tpu.memref_slice %arg7[%dma_start3A_106, %dma_start3A_115, %dma_start3A_116] : memref<6x128x128xf32, #tpu.memory_space<vmem>> -> memref<1x128x128xf32, #tpu.memory_space<vmem>>
    %dma_start3A_118 = tpu.memref_squeeze %dma_start3A_117 : memref<1x128x128xf32, #tpu.memory_space<vmem>> -> memref<128x128xf32, #tpu.memory_space<vmem>>
    tpu.enqueue_dma source(%dma_start3A_118 : memref<128x128xf32, #tpu.memory_space<vmem>>) target(%dma_start3A_114 : memref<128x128xf32, #tpu.memory_space<hbm>>) target_semaphore(%arg10 : memref<!tpu.dma_semaphore, #tpu.memory_space<semaphore_mem>>)
    %dma_start3A_119 = arith.constant 5 : i32
    %dma_start3A_120 = arith.constant 5 : i32
    %dma_start3A_121 = arith.constant 0 : i32
    %dma_start3A_122 = arith.constant 0 : i32
    %dma_start3A_123 = tpu.memref_slice %arg7[%dma_start3A_120, %dma_start3A_121, %dma_start3A_122] : memref<6x128x128xf32, #tpu.memory_space<vmem>> -> memref<1x128x128xf32, #tpu.memory_space<vmem>>
    %dma_start3A_124 = tpu.memref_squeeze %dma_start3A_123 : memref<1x128x128xf32, #tpu.memory_space<vmem>> -> memref<128x128xf32, #tpu.memory_space<vmem>>
    %dma_start3A_125 = arith.constant 0 : i32
    %dma_start3A_126 = tpu.memref_slice %arg6[%dma_start3A_119, %dma_start3A_125] : memref<200x128xi32, #tpu.memory_space<vmem>> -> memref<1x128xi32, #tpu.memory_space<vmem>>
    %dma_start3A_127 = tpu.memref_squeeze %dma_start3A_126 : memref<1x128xi32, #tpu.memory_space<vmem>> -> memref<128xi32, #tpu.memory_space<vmem>>
    %dma_start3A_128 = arith.constant 0 : i32
    %dma_start3A_129 = arith.constant 0 : i32
    %dma_start3A_130 = tpu.memref_slice %arg5[%dma_start3A_128, %dma_start3A_129] : memref<37x128xf32, #tpu.memory_space<vmem_shared>> -> memref<37x128xf32, #tpu.memory_space<vmem_shared>>
    tpu.enqueue_indirect_dma source(%dma_start3A_130 : memref<37x128xf32, #tpu.memory_space<vmem_shared>>) target(%dma_start3A_124 : memref<128x128xf32, #tpu.memory_space<vmem>>) offsets(%dma_start3A_127 : memref<128xi32, #tpu.memory_space<vmem>>) semaphore(%arg9 : memref<!tpu.dma_semaphore, #tpu.memory_space<semaphore_mem>>)
    %dma_wait3A_131 = arith.constant 0 : i32
    %dma_wait3A_132 = arith.constant 0 : i32
    %dma_wait3A_133 = arith.constant 0 : i32
    %dma_wait3A_134 = tpu.memref_slice %arg7[%dma_wait3A_131, %dma_wait3A_132, %dma_wait3A_133] : memref<6x128x128xf32, #tpu.memory_space<vmem>> -> memref<1x128x128xf32, #tpu.memory_space<vmem>>
    %dma_wait3A_135 = tpu.memref_squeeze %dma_wait3A_134 : memref<1x128x128xf32, #tpu.memory_space<vmem>> -> memref<128x128xf32, #tpu.memory_space<vmem>>
    %dma_wait3A_136 = arith.constant 0 : i32
    %dma_wait3A_137 = tpu.memref_slice %arg4[%mul3A_2, %dma_wait3A_136] : memref<819200x128xf32, #tpu.memory_space<hbm>> -> memref<128x128xf32, #tpu.memory_space<hbm>>
    %dma_wait3A_138 = arith.constant 0 : i32
    %dma_wait3A_139 = tpu.memref_slice %arg4[%mul3A_2, %dma_wait3A_138] : memref<819200x128xf32, #tpu.memory_space<hbm>> -> memref<128x128xf32, #tpu.memory_space<hbm>>
    %dma_wait3A_140 = arith.constant 0 : i32
    %dma_wait3A_141 = arith.constant 0 : i32
    %dma_wait3A_142 = tpu.memref_slice %arg7[%dma_wait3A_131, %dma_wait3A_140, %dma_wait3A_141] : memref<6x128x128xf32, #tpu.memory_space<vmem>> -> memref<1x128x128xf32, #tpu.memory_space<vmem>>
    %dma_wait3A_143 = tpu.memref_squeeze %dma_wait3A_142 : memref<1x128x128xf32, #tpu.memory_space<vmem>> -> memref<128x128xf32, #tpu.memory_space<vmem>>
    tpu.wait_dma2 semaphore(%arg10 : memref<!tpu.dma_semaphore, #tpu.memory_space<semaphore_mem>>) src(%dma_wait3A_143 : memref<128x128xf32, #tpu.memory_space<vmem>>) dst(%dma_wait3A_139 : memref<128x128xf32, #tpu.memory_space<hbm>>)
    %dma_wait3A_144 = arith.constant 0 : i32
    %dma_wait3A_145 = arith.constant 2 : i32
    %dma_wait3A_146 = arith.constant 0 : i32
    %dma_wait3A_147 = arith.constant 0 : i32
    %dma_wait3A_148 = tpu.memref_slice %arg7[%dma_wait3A_145, %dma_wait3A_146, %dma_wait3A_147] : memref<6x128x128xf32, #tpu.memory_space<vmem>> -> memref<1x128x128xf32, #tpu.memory_space<vmem>>
    %dma_wait3A_149 = tpu.memref_squeeze %dma_wait3A_148 : memref<1x128x128xf32, #tpu.memory_space<vmem>> -> memref<128x128xf32, #tpu.memory_space<vmem>>
    %dma_wait3A_150 = arith.constant 0 : i32
    %dma_wait3A_151 = tpu.memref_slice %arg6[%dma_wait3A_144, %dma_wait3A_150] : memref<200x128xi32, #tpu.memory_space<vmem>> -> memref<1x128xi32, #tpu.memory_space<vmem>>
    %dma_wait3A_152 = tpu.memref_squeeze %dma_wait3A_151 : memref<1x128xi32, #tpu.memory_space<vmem>> -> memref<128xi32, #tpu.memory_space<vmem>>
    %dma_wait3A_153 = arith.constant 0 : i32
    %dma_wait3A_154 = arith.constant 0 : i32
    %dma_wait3A_155 = tpu.memref_slice %arg5[%dma_wait3A_153, %dma_wait3A_154] : memref<37x128xf32, #tpu.memory_space<vmem_shared>> -> memref<37x128xf32, #tpu.memory_space<vmem_shared>>
    tpu.wait_indirect_dma semaphore(%arg9 : memref<!tpu.dma_semaphore, #tpu.memory_space<semaphore_mem>>) src(%dma_wait3A_155 : memref<37x128xf32, #tpu.memory_space<vmem_shared>>) dst(%dma_wait3A_149 : memref<128x128xf32, #tpu.memory_space<vmem>>)
    %add3A_156 = arith.constant 256 : i32
    %add3A_157 = arith.addi %mul3A_2, %add3A_156 : i32
    %dma_start3A_158 = arith.constant 2 : i32
    %dma_start3A_159 = arith.constant 0 : i32
    %dma_start3A_160 = arith.constant 0 : i32
    %dma_start3A_161 = tpu.memref_slice %arg7[%dma_start3A_158, %dma_start3A_159, %dma_start3A_160] : memref<6x128x128xf32, #tpu.memory_space<vmem>> -> memref<1x128x128xf32, #tpu.memory_space<vmem>>
    %dma_start3A_162 = tpu.memref_squeeze %dma_start3A_161 : memref<1x128x128xf32, #tpu.memory_space<vmem>> -> memref<128x128xf32, #tpu.memory_space<vmem>>
    %dma_start3A_163 = arith.constant 0 : i32
    %dma_start3A_164 = tpu.memref_slice %arg4[%add3A_157, %dma_start3A_163] : memref<819200x128xf32, #tpu.memory_space<hbm>> -> memref<128x128xf32, #tpu.memory_space<hbm>>
    %dma_start3A_165 = arith.constant 0 : i32
    %dma_start3A_166 = tpu.memref_slice %arg4[%add3A_157, %dma_start3A_165] : memref<819200x128xf32, #tpu.memory_space<hbm>> -> memref<128x128xf32, #tpu.memory_space<hbm>>
    %dma_start3A_167 = arith.constant 0 : i32
    %dma_start3A_168 = arith.constant 0 : i32
    %dma_start3A_169 = tpu.memref_slice %arg7[%dma_start3A_158, %dma_start3A_167, %dma_start3A_168] : memref<6x128x128xf32, #tpu.memory_space<vmem>> -> memref<1x128x128xf32, #tpu.memory_space<vmem>>
    %dma_start3A_170 = tpu.memref_squeeze %dma_start3A_169 : memref<1x128x128xf32, #tpu.memory_space<vmem>> -> memref<128x128xf32, #tpu.memory_space<vmem>>
    tpu.enqueue_dma source(%dma_start3A_170 : memref<128x128xf32, #tpu.memory_space<vmem>>) target(%dma_start3A_166 : memref<128x128xf32, #tpu.memory_space<hbm>>) target_semaphore(%arg10 : memref<!tpu.dma_semaphore, #tpu.memory_space<semaphore_mem>>)
    %dma_start3A_171 = arith.constant 6 : i32
    %dma_start3A_172 = arith.constant 0 : i32
    %dma_start3A_173 = arith.constant 0 : i32
    %dma_start3A_174 = arith.constant 0 : i32
    %dma_start3A_175 = tpu.memref_slice %arg7[%dma_start3A_172, %dma_start3A_173, %dma_start3A_174] : memref<6x128x128xf32, #tpu.memory_space<vmem>> -> memref<1x128x128xf32, #tpu.memory_space<vmem>>
    %dma_start3A_176 = tpu.memref_squeeze %dma_start3A_175 : memref<1x128x128xf32, #tpu.memory_space<vmem>> -> memref<128x128xf32, #tpu.memory_space<vmem>>
    %dma_start3A_177 = arith.constant 0 : i32
    %dma_start3A_178 = tpu.memref_slice %arg6[%dma_start3A_171, %dma_start3A_177] : memref<200x128xi32, #tpu.memory_space<vmem>> -> memref<1x128xi32, #tpu.memory_space<vmem>>
    %dma_start3A_179 = tpu.memref_squeeze %dma_start3A_178 : memref<1x128xi32, #tpu.memory_space<vmem>> -> memref<128xi32, #tpu.memory_space<vmem>>
    %dma_start3A_180 = arith.constant 0 : i32
    %dma_start3A_181 = arith.constant 0 : i32
    %dma_start3A_182 = tpu.memref_slice %arg5[%dma_start3A_180, %dma_start3A_181] : memref<37x128xf32, #tpu.memory_space<vmem_shared>> -> memref<37x128xf32, #tpu.memory_space<vmem_shared>>
    tpu.enqueue_indirect_dma source(%dma_start3A_182 : memref<37x128xf32, #tpu.memory_space<vmem_shared>>) target(%dma_start3A_176 : memref<128x128xf32, #tpu.memory_space<vmem>>) offsets(%dma_start3A_179 : memref<128xi32, #tpu.memory_space<vmem>>) semaphore(%arg9 : memref<!tpu.dma_semaphore, #tpu.memory_space<semaphore_mem>>)
    %dma_wait3A_183 = arith.constant 1 : i32
    %dma_wait3A_184 = arith.constant 0 : i32
    %dma_wait3A_185 = arith.constant 0 : i32
    %dma_wait3A_186 = tpu.memref_slice %arg7[%dma_wait3A_183, %dma_wait3A_184, %dma_wait3A_185] : memref<6x128x128xf32, #tpu.memory_space<vmem>> -> memref<1x128x128xf32, #tpu.memory_space<vmem>>
    %dma_wait3A_187 = tpu.memref_squeeze %dma_wait3A_186 : memref<1x128x128xf32, #tpu.memory_space<vmem>> -> memref<128x128xf32, #tpu.memory_space<vmem>>
    %dma_wait3A_188 = arith.constant 0 : i32
    %dma_wait3A_189 = tpu.memref_slice %arg4[%mul3A_2, %dma_wait3A_188] : memref<819200x128xf32, #tpu.memory_space<hbm>> -> memref<128x128xf32, #tpu.memory_space<hbm>>
    %dma_wait3A_190 = arith.constant 0 : i32
    %dma_wait3A_191 = tpu.memref_slice %arg4[%mul3A_2, %dma_wait3A_190] : memref<819200x128xf32, #tpu.memory_space<hbm>> -> memref<128x128xf32, #tpu.memory_space<hbm>>
    %dma_wait3A_192 = arith.constant 0 : i32
    %dma_wait3A_193 = arith.constant 0 : i32
    %dma_wait3A_194 = tpu.memref_slice %arg7[%dma_wait3A_183, %dma_wait3A_192, %dma_wait3A_193] : memref<6x128x128xf32, #tpu.memory_space<vmem>> -> memref<1x128x128xf32, #tpu.memory_space<vmem>>
    %dma_wait3A_195 = tpu.memref_squeeze %dma_wait3A_194 : memref<1x128x128xf32, #tpu.memory_space<vmem>> -> memref<128x128xf32, #tpu.memory_space<vmem>>
    tpu.wait_dma2 semaphore(%arg10 : memref<!tpu.dma_semaphore, #tpu.memory_space<semaphore_mem>>) src(%dma_wait3A_195 : memref<128x128xf32, #tpu.memory_space<vmem>>) dst(%dma_wait3A_191 : memref<128x128xf32, #tpu.memory_space<hbm>>)
    %dma_wait3A_196 = arith.constant 0 : i32
    %dma_wait3A_197 = arith.constant 3 : i32
    %dma_wait3A_198 = arith.constant 0 : i32
    %dma_wait3A_199 = arith.constant 0 : i32
    %dma_wait3A_200 = tpu.memref_slice %arg7[%dma_wait3A_197, %dma_wait3A_198, %dma_wait3A_199] : memref<6x128x128xf32, #tpu.memory_space<vmem>> -> memref<1x128x128xf32, #tpu.memory_space<vmem>>
    %dma_wait3A_201 = tpu.memref_squeeze %dma_wait3A_200 : memref<1x128x128xf32, #tpu.memory_space<vmem>> -> memref<128x128xf32, #tpu.memory_space<vmem>>
    %dma_wait3A_202 = arith.constant 0 : i32
    %dma_wait3A_203 = tpu.memref_slice %arg6[%dma_wait3A_196, %dma_wait3A_202] : memref<200x128xi32, #tpu.memory_space<vmem>> -> memref<1x128xi32, #tpu.memory_space<vmem>>
    %dma_wait3A_204 = tpu.memref_squeeze %dma_wait3A_203 : memref<1x128xi32, #tpu.memory_space<vmem>> -> memref<128xi32, #tpu.memory_space<vmem>>
    %dma_wait3A_205 = arith.constant 0 : i32
    %dma_wait3A_206 = arith.constant 0 : i32
    %dma_wait3A_207 = tpu.memref_slice %arg5[%dma_wait3A_205, %dma_wait3A_206] : memref<37x128xf32, #tpu.memory_space<vmem_shared>> -> memref<37x128xf32, #tpu.memory_space<vmem_shared>>
    tpu.wait_indirect_dma semaphore(%arg9 : memref<!tpu.dma_semaphore, #tpu.memory_space<semaphore_mem>>) src(%dma_wait3A_207 : memref<37x128xf32, #tpu.memory_space<vmem_shared>>) dst(%dma_wait3A_201 : memref<128x128xf32, #tpu.memory_space<vmem>>)
    %add3A_208 = arith.constant 384 : i32
    %add3A_209 = arith.addi %mul3A_2, %add3A_208 : i32
    %dma_start3A_210 = arith.constant 3 : i32
    %dma_start3A_211 = arith.constant 0 : i32
    %dma_start3A_212 = arith.constant 0 : i32
    %dma_start3A_213 = tpu.memref_slice %arg7[%dma_start3A_210, %dma_start3A_211, %dma_start3A_212] : memref<6x128x128xf32, #tpu.memory_space<vmem>> -> memref<1x128x128xf32, #tpu.memory_space<vmem>>
    %dma_start3A_214 = tpu.memref_squeeze %dma_start3A_213 : memref<1x128x128xf32, #tpu.memory_space<vmem>> -> memref<128x128xf32, #tpu.memory_space<vmem>>
    %dma_start3A_215 = arith.constant 0 : i32
    %dma_start3A_216 = tpu.memref_slice %arg4[%add3A_209, %dma_start3A_215] : memref<819200x128xf32, #tpu.memory_space<hbm>> -> memref<128x128xf32, #tpu.memory_space<hbm>>
    %dma_start3A_217 = arith.constant 0 : i32
    %dma_start3A_218 = tpu.memref_slice %arg4[%add3A_209, %dma_start3A_217] : memref<819200x128xf32, #tpu.memory_space<hbm>> -> memref<128x128xf32, #tpu.memory_space<hbm>>
    %dma_start3A_219 = arith.constant 0 : i32
    %dma_start3A_220 = arith.constant 0 : i32
    %dma_start3A_221 = tpu.memref_slice %arg7[%dma_start3A_210, %dma_start3A_219, %dma_start3A_220] : memref<6x128x128xf32, #tpu.memory_space<vmem>> -> memref<1x128x128xf32, #tpu.memory_space<vmem>>
    %dma_start3A_222 = tpu.memref_squeeze %dma_start3A_221 : memref<1x128x128xf32, #tpu.memory_space<vmem>> -> memref<128x128xf32, #tpu.memory_space<vmem>>
    tpu.enqueue_dma source(%dma_start3A_222 : memref<128x128xf32, #tpu.memory_space<vmem>>) target(%dma_start3A_218 : memref<128x128xf32, #tpu.memory_space<hbm>>) target_semaphore(%arg10 : memref<!tpu.dma_semaphore, #tpu.memory_space<semaphore_mem>>)
    %dma_start3A_223 = arith.constant 7 : i32
    %dma_start3A_224 = arith.constant 1 : i32
    %dma_start3A_225 = arith.constant 0 : i32
    %dma_start3A_226 = arith.constant 0 : i32
    %dma_start3A_227 = tpu.memref_slice %arg7[%dma_start3A_224, %dma_start3A_225, %dma_start3A_226] : memref<6x128x128xf32, #tpu.memory_space<vmem>> -> memref<1x128x128xf32, #tpu.memory_space<vmem>>
    %dma_start3A_228 = tpu.memref_squeeze %dma_start3A_227 : memref<1x128x128xf32, #tpu.memory_space<vmem>> -> memref<128x128xf32, #tpu.memory_space<vmem>>
    %dma_start3A_229 = arith.constant 0 : i32
    %dma_start3A_230 = tpu.memref_slice %arg6[%dma_start3A_223, %dma_start3A_229] : memref<200x128xi32, #tpu.memory_space<vmem>> -> memref<1x128xi32, #tpu.memory_space<vmem>>
    %dma_start3A_231 = tpu.memref_squeeze %dma_start3A_230 : memref<1x128xi32, #tpu.memory_space<vmem>> -> memref<128xi32, #tpu.memory_space<vmem>>
    %dma_start3A_232 = arith.constant 0 : i32
    %dma_start3A_233 = arith.constant 0 : i32
    %dma_start3A_234 = tpu.memref_slice %arg5[%dma_start3A_232, %dma_start3A_233] : memref<37x128xf32, #tpu.memory_space<vmem_shared>> -> memref<37x128xf32, #tpu.memory_space<vmem_shared>>
    tpu.enqueue_indirect_dma source(%dma_start3A_234 : memref<37x128xf32, #tpu.memory_space<vmem_shared>>) target(%dma_start3A_228 : memref<128x128xf32, #tpu.memory_space<vmem>>) offsets(%dma_start3A_231 : memref<128xi32, #tpu.memory_space<vmem>>) semaphore(%arg9 : memref<!tpu.dma_semaphore, #tpu.memory_space<semaphore_mem>>)
    %dma_wait3A_235 = arith.constant 2 : i32
    %dma_wait3A_236 = arith.constant 0 : i32
    %dma_wait3A_237 = arith.constant 0 : i32
    %dma_wait3A_238 = tpu.memref_slice %arg7[%dma_wait3A_235, %dma_wait3A_236, %dma_wait3A_237] : memref<6x128x128xf32, #tpu.memory_space<vmem>> -> memref<1x128x128xf32, #tpu.memory_space<vmem>>
    %dma_wait3A_239 = tpu.memref_squeeze %dma_wait3A_238 : memref<1x128x128xf32, #tpu.memory_space<vmem>> -> memref<128x128xf32, #tpu.memory_space<vmem>>
    %dma_wait3A_240 = arith.constant 0 : i32
    %dma_wait3A_241 = tpu.memref_slice %arg4[%mul3A_2, %dma_wait3A_240] : memref<819200x128xf32, #tpu.memory_space<hbm>> -> memref<128x128xf32, #tpu.memory_space<hbm>>
    %dma_wait3A_242 = arith.constant 0 : i32
    %dma_wait3A_243 = tpu.memref_slice %arg4[%mul3A_2, %dma_wait3A_242] : memref<819200x128xf32, #tpu.memory_space<hbm>> -> memref<128x128xf32, #tpu.memory_space<hbm>>
    %dma_wait3A_244 = arith.constant 0 : i32
    %dma_wait3A_245 = arith.constant 0 : i32
    %dma_wait3A_246 = tpu.memref_slice %arg7[%dma_wait3A_235, %dma_wait3A_244, %dma_wait3A_245] : memref<6x128x128xf32, #tpu.memory_space<vmem>> -> memref<1x128x128xf32, #tpu.memory_space<vmem>>
    %dma_wait3A_247 = tpu.memref_squeeze %dma_wait3A_246 : memref<1x128x128xf32, #tpu.memory_space<vmem>> -> memref<128x128xf32, #tpu.memory_space<vmem>>
    tpu.wait_dma2 semaphore(%arg10 : memref<!tpu.dma_semaphore, #tpu.memory_space<semaphore_mem>>) src(%dma_wait3A_247 : memref<128x128xf32, #tpu.memory_space<vmem>>) dst(%dma_wait3A_243 : memref<128x128xf32, #tpu.memory_space<hbm>>)
    %scan3A = arith.constant 0 : i32
    %scan3A_248 = arith.constant 32 : i32
    %scan3A_249 = arith.addi %scan3A, %scan3A_248 : i32
    %scan3A_250 = arith.constant 1 : i32
    scf.for %scan3A_425 = %scan3A to %scan3A_249 step %scan3A_250  : i32 {
      %mul3A_426 = arith.constant 6 : i32
      %mul3A_427 = arith.muli %mul3A_426, %scan3A_425 : i32
      %add3A_428 = arith.constant 4 : i32
      %add3A_429 = arith.addi %add3A_428, %mul3A_427 : i32
      %add3A_430 = arith.constant 0 : i32
      %add3A_431 = arith.addi %add3A_429, %add3A_430 : i32
      %dma_wait3A_432 = arith.constant 0 : i32
      %dma_wait3A_433 = arith.constant 4 : i32
      %dma_wait3A_434 = arith.constant 0 : i32
      %dma_wait3A_435 = arith.constant 0 : i32
      %dma_wait3A_436 = tpu.memref_slice %arg7[%dma_wait3A_433, %dma_wait3A_434, %dma_wait3A_435] : memref<6x128x128xf32, #tpu.memory_space<vmem>> -> memref<1x128x128xf32, #tpu.memory_space<vmem>>
      %dma_wait3A_437 = tpu.memref_squeeze %dma_wait3A_436 : memref<1x128x128xf32, #tpu.memory_space<vmem>> -> memref<128x128xf32, #tpu.memory_space<vmem>>
      %dma_wait3A_438 = arith.constant 0 : i32
      %dma_wait3A_439 = tpu.memref_slice %arg6[%dma_wait3A_432, %dma_wait3A_438] : memref<200x128xi32, #tpu.memory_space<vmem>> -> memref<1x128xi32, #tpu.memory_space<vmem>>
      %dma_wait3A_440 = tpu.memref_squeeze %dma_wait3A_439 : memref<1x128xi32, #tpu.memory_space<vmem>> -> memref<128xi32, #tpu.memory_space<vmem>>
      %dma_wait3A_441 = arith.constant 0 : i32
      %dma_wait3A_442 = arith.constant 0 : i32
      %dma_wait3A_443 = tpu.memref_slice %arg5[%dma_wait3A_441, %dma_wait3A_442] : memref<37x128xf32, #tpu.memory_space<vmem_shared>> -> memref<37x128xf32, #tpu.memory_space<vmem_shared>>
      tpu.wait_indirect_dma semaphore(%arg9 : memref<!tpu.dma_semaphore, #tpu.memory_space<semaphore_mem>>) src(%dma_wait3A_443 : memref<37x128xf32, #tpu.memory_space<vmem_shared>>) dst(%dma_wait3A_437 : memref<128x128xf32, #tpu.memory_space<vmem>>)
      %mul3A_444 = arith.constant 128 : i32
      %mul3A_445 = arith.muli %add3A_431, %mul3A_444 : i32
      %add3A_446 = arith.addi %mul3A_2, %mul3A_445 : i32
      %dma_start3A_447 = arith.constant 4 : i32
      %dma_start3A_448 = arith.constant 0 : i32
      %dma_start3A_449 = arith.constant 0 : i32
      %dma_start3A_450 = tpu.memref_slice %arg7[%dma_start3A_447, %dma_start3A_448, %dma_start3A_449] : memref<6x128x128xf32, #tpu.memory_space<vmem>> -> memref<1x128x128xf32, #tpu.memory_space<vmem>>
      %dma_start3A_451 = tpu.memref_squeeze %dma_start3A_450 : memref<1x128x128xf32, #tpu.memory_space<vmem>> -> memref<128x128xf32, #tpu.memory_space<vmem>>
      %dma_start3A_452 = arith.constant 0 : i32
      %dma_start3A_453 = tpu.memref_slice %arg4[%add3A_446, %dma_start3A_452] : memref<819200x128xf32, #tpu.memory_space<hbm>> -> memref<128x128xf32, #tpu.memory_space<hbm>>
      %dma_start3A_454 = arith.constant 0 : i32
      %dma_start3A_455 = tpu.memref_slice %arg4[%add3A_446, %dma_start3A_454] : memref<819200x128xf32, #tpu.memory_space<hbm>> -> memref<128x128xf32, #tpu.memory_space<hbm>>
      %dma_start3A_456 = arith.constant 0 : i32
      %dma_start3A_457 = arith.constant 0 : i32
      %dma_start3A_458 = tpu.memref_slice %arg7[%dma_start3A_447, %dma_start3A_456, %dma_start3A_457] : memref<6x128x128xf32, #tpu.memory_space<vmem>> -> memref<1x128x128xf32, #tpu.memory_space<vmem>>
      %dma_start3A_459 = tpu.memref_squeeze %dma_start3A_458 : memref<1x128x128xf32, #tpu.memory_space<vmem>> -> memref<128x128xf32, #tpu.memory_space<vmem>>
      tpu.enqueue_dma source(%dma_start3A_459 : memref<128x128xf32, #tpu.memory_space<vmem>>) target(%dma_start3A_455 : memref<128x128xf32, #tpu.memory_space<hbm>>) target_semaphore(%arg10 : memref<!tpu.dma_semaphore, #tpu.memory_space<semaphore_mem>>)
      %add3A_460 = arith.constant 4 : i32
      %add3A_461 = arith.addi %add3A_431, %add3A_460 : i32
      %dma_start3A_462 = arith.constant 2 : i32
      %dma_start3A_463 = arith.constant 0 : i32
      %dma_start3A_464 = arith.constant 0 : i32
      %dma_start3A_465 = tpu.memref_slice %arg7[%dma_start3A_462, %dma_start3A_463, %dma_start3A_464] : memref<6x128x128xf32, #tpu.memory_space<vmem>> -> memref<1x128x128xf32, #tpu.memory_space<vmem>>
      %dma_start3A_466 = tpu.memref_squeeze %dma_start3A_465 : memref<1x128x128xf32, #tpu.memory_space<vmem>> -> memref<128x128xf32, #tpu.memory_space<vmem>>
      %dma_start3A_467 = arith.constant 0 : i32
      %dma_start3A_468 = tpu.memref_slice %arg6[%add3A_461, %dma_start3A_467] : memref<200x128xi32, #tpu.memory_space<vmem>> -> memref<1x128xi32, #tpu.memory_space<vmem>>
      %dma_start3A_469 = tpu.memref_squeeze %dma_start3A_468 : memref<1x128xi32, #tpu.memory_space<vmem>> -> memref<128xi32, #tpu.memory_space<vmem>>
      %dma_start3A_470 = arith.constant 0 : i32
      %dma_start3A_471 = arith.constant 0 : i32
      %dma_start3A_472 = tpu.memref_slice %arg5[%dma_start3A_470, %dma_start3A_471] : memref<37x128xf32, #tpu.memory_space<vmem_shared>> -> memref<37x128xf32, #tpu.memory_space<vmem_shared>>
      tpu.enqueue_indirect_dma source(%dma_start3A_472 : memref<37x128xf32, #tpu.memory_space<vmem_shared>>) target(%dma_start3A_466 : memref<128x128xf32, #tpu.memory_space<vmem>>) offsets(%dma_start3A_469 : memref<128xi32, #tpu.memory_space<vmem>>) semaphore(%arg9 : memref<!tpu.dma_semaphore, #tpu.memory_space<semaphore_mem>>)
      %dma_wait3A_473 = arith.constant 3 : i32
      %dma_wait3A_474 = arith.constant 0 : i32
      %dma_wait3A_475 = arith.constant 0 : i32
      %dma_wait3A_476 = tpu.memref_slice %arg7[%dma_wait3A_473, %dma_wait3A_474, %dma_wait3A_475] : memref<6x128x128xf32, #tpu.memory_space<vmem>> -> memref<1x128x128xf32, #tpu.memory_space<vmem>>
      %dma_wait3A_477 = tpu.memref_squeeze %dma_wait3A_476 : memref<1x128x128xf32, #tpu.memory_space<vmem>> -> memref<128x128xf32, #tpu.memory_space<vmem>>
      %dma_wait3A_478 = arith.constant 0 : i32
      %dma_wait3A_479 = tpu.memref_slice %arg4[%mul3A_2, %dma_wait3A_478] : memref<819200x128xf32, #tpu.memory_space<hbm>> -> memref<128x128xf32, #tpu.memory_space<hbm>>
      %dma_wait3A_480 = arith.constant 0 : i32
      %dma_wait3A_481 = tpu.memref_slice %arg4[%mul3A_2, %dma_wait3A_480] : memref<819200x128xf32, #tpu.memory_space<hbm>> -> memref<128x128xf32, #tpu.memory_space<hbm>>
      %dma_wait3A_482 = arith.constant 0 : i32
      %dma_wait3A_483 = arith.constant 0 : i32
      %dma_wait3A_484 = tpu.memref_slice %arg7[%dma_wait3A_473, %dma_wait3A_482, %dma_wait3A_483] : memref<6x128x128xf32, #tpu.memory_space<vmem>> -> memref<1x128x128xf32, #tpu.memory_space<vmem>>
      %dma_wait3A_485 = tpu.memref_squeeze %dma_wait3A_484 : memref<1x128x128xf32, #tpu.memory_space<vmem>> -> memref<128x128xf32, #tpu.memory_space<vmem>>
      tpu.wait_dma2 semaphore(%arg10 : memref<!tpu.dma_semaphore, #tpu.memory_space<semaphore_mem>>) src(%dma_wait3A_485 : memref<128x128xf32, #tpu.memory_space<vmem>>) dst(%dma_wait3A_481 : memref<128x128xf32, #tpu.memory_space<hbm>>)
      %mul3A_486 = arith.constant 6 : i32
      %mul3A_487 = arith.muli %mul3A_486, %scan3A_425 : i32
      %add3A_488 = arith.constant 4 : i32
      %add3A_489 = arith.addi %add3A_488, %mul3A_487 : i32
      %add3A_490 = arith.constant 1 : i32
      %add3A_491 = arith.addi %add3A_489, %add3A_490 : i32
      %dma_wait3A_492 = arith.constant 0 : i32
      %dma_wait3A_493 = arith.constant 5 : i32
      %dma_wait3A_494 = arith.constant 0 : i32
      %dma_wait3A_495 = arith.constant 0 : i32
      %dma_wait3A_496 = tpu.memref_slice %arg7[%dma_wait3A_493, %dma_wait3A_494, %dma_wait3A_495] : memref<6x128x128xf32, #tpu.memory_space<vmem>> -> memref<1x128x128xf32, #tpu.memory_space<vmem>>
      %dma_wait3A_497 = tpu.memref_squeeze %dma_wait3A_496 : memref<1x128x128xf32, #tpu.memory_space<vmem>> -> memref<128x128xf32, #tpu.memory_space<vmem>>
      %dma_wait3A_498 = arith.constant 0 : i32
      %dma_wait3A_499 = tpu.memref_slice %arg6[%dma_wait3A_492, %dma_wait3A_498] : memref<200x128xi32, #tpu.memory_space<vmem>> -> memref<1x128xi32, #tpu.memory_space<vmem>>
      %dma_wait3A_500 = tpu.memref_squeeze %dma_wait3A_499 : memref<1x128xi32, #tpu.memory_space<vmem>> -> memref<128xi32, #tpu.memory_space<vmem>>
      %dma_wait3A_501 = arith.constant 0 : i32
      %dma_wait3A_502 = arith.constant 0 : i32
      %dma_wait3A_503 = tpu.memref_slice %arg5[%dma_wait3A_501, %dma_wait3A_502] : memref<37x128xf32, #tpu.memory_space<vmem_shared>> -> memref<37x128xf32, #tpu.memory_space<vmem_shared>>
      tpu.wait_indirect_dma semaphore(%arg9 : memref<!tpu.dma_semaphore, #tpu.memory_space<semaphore_mem>>) src(%dma_wait3A_503 : memref<37x128xf32, #tpu.memory_space<vmem_shared>>) dst(%dma_wait3A_497 : memref<128x128xf32, #tpu.memory_space<vmem>>)
      %mul3A_504 = arith.constant 128 : i32
      %mul3A_505 = arith.muli %add3A_491, %mul3A_504 : i32
      %add3A_506 = arith.addi %mul3A_2, %mul3A_505 : i32
      %dma_start3A_507 = arith.constant 5 : i32
      %dma_start3A_508 = arith.constant 0 : i32
      %dma_start3A_509 = arith.constant 0 : i32
      %dma_start3A_510 = tpu.memref_slice %arg7[%dma_start3A_507, %dma_start3A_508, %dma_start3A_509] : memref<6x128x128xf32, #tpu.memory_space<vmem>> -> memref<1x128x128xf32, #tpu.memory_space<vmem>>
      %dma_start3A_511 = tpu.memref_squeeze %dma_start3A_510 : memref<1x128x128xf32, #tpu.memory_space<vmem>> -> memref<128x128xf32, #tpu.memory_space<vmem>>
      %dma_start3A_512 = arith.constant 0 : i32
      %dma_start3A_513 = tpu.memref_slice %arg4[%add3A_506, %dma_start3A_512] : memref<819200x128xf32, #tpu.memory_space<hbm>> -> memref<128x128xf32, #tpu.memory_space<hbm>>
      %dma_start3A_514 = arith.constant 0 : i32
      %dma_start3A_515 = tpu.memref_slice %arg4[%add3A_506, %dma_start3A_514] : memref<819200x128xf32, #tpu.memory_space<hbm>> -> memref<128x128xf32, #tpu.memory_space<hbm>>
      %dma_start3A_516 = arith.constant 0 : i32
      %dma_start3A_517 = arith.constant 0 : i32
      %dma_start3A_518 = tpu.memref_slice %arg7[%dma_start3A_507, %dma_start3A_516, %dma_start3A_517] : memref<6x128x128xf32, #tpu.memory_space<vmem>> -> memref<1x128x128xf32, #tpu.memory_space<vmem>>
      %dma_start3A_519 = tpu.memref_squeeze %dma_start3A_518 : memref<1x128x128xf32, #tpu.memory_space<vmem>> -> memref<128x128xf32, #tpu.memory_space<vmem>>
      tpu.enqueue_dma source(%dma_start3A_519 : memref<128x128xf32, #tpu.memory_space<vmem>>) target(%dma_start3A_515 : memref<128x128xf32, #tpu.memory_space<hbm>>) target_semaphore(%arg10 : memref<!tpu.dma_semaphore, #tpu.memory_space<semaphore_mem>>)
      %add3A_520 = arith.constant 4 : i32
      %add3A_521 = arith.addi %add3A_491, %add3A_520 : i32
      %dma_start3A_522 = arith.constant 3 : i32
      %dma_start3A_523 = arith.constant 0 : i32
      %dma_start3A_524 = arith.constant 0 : i32
      %dma_start3A_525 = tpu.memref_slice %arg7[%dma_start3A_522, %dma_start3A_523, %dma_start3A_524] : memref<6x128x128xf32, #tpu.memory_space<vmem>> -> memref<1x128x128xf32, #tpu.memory_space<vmem>>
      %dma_start3A_526 = tpu.memref_squeeze %dma_start3A_525 : memref<1x128x128xf32, #tpu.memory_space<vmem>> -> memref<128x128xf32, #tpu.memory_space<vmem>>
      %dma_start3A_527 = arith.constant 0 : i32
      %dma_start3A_528 = tpu.memref_slice %arg6[%add3A_521, %dma_start3A_527] : memref<200x128xi32, #tpu.memory_space<vmem>> -> memref<1x128xi32, #tpu.memory_space<vmem>>
      %dma_start3A_529 = tpu.memref_squeeze %dma_start3A_528 : memref<1x128xi32, #tpu.memory_space<vmem>> -> memref<128xi32, #tpu.memory_space<vmem>>
      %dma_start3A_530 = arith.constant 0 : i32
      %dma_start3A_531 = arith.constant 0 : i32
      %dma_start3A_532 = tpu.memref_slice %arg5[%dma_start3A_530, %dma_start3A_531] : memref<37x128xf32, #tpu.memory_space<vmem_shared>> -> memref<37x128xf32, #tpu.memory_space<vmem_shared>>
      tpu.enqueue_indirect_dma source(%dma_start3A_532 : memref<37x128xf32, #tpu.memory_space<vmem_shared>>) target(%dma_start3A_526 : memref<128x128xf32, #tpu.memory_space<vmem>>) offsets(%dma_start3A_529 : memref<128xi32, #tpu.memory_space<vmem>>) semaphore(%arg9 : memref<!tpu.dma_semaphore, #tpu.memory_space<semaphore_mem>>)
      %dma_wait3A_533 = arith.constant 4 : i32
      %dma_wait3A_534 = arith.constant 0 : i32
      %dma_wait3A_535 = arith.constant 0 : i32
      %dma_wait3A_536 = tpu.memref_slice %arg7[%dma_wait3A_533, %dma_wait3A_534, %dma_wait3A_535] : memref<6x128x128xf32, #tpu.memory_space<vmem>> -> memref<1x128x128xf32, #tpu.memory_space<vmem>>
      %dma_wait3A_537 = tpu.memref_squeeze %dma_wait3A_536 : memref<1x128x128xf32, #tpu.memory_space<vmem>> -> memref<128x128xf32, #tpu.memory_space<vmem>>
      %dma_wait3A_538 = arith.constant 0 : i32
      %dma_wait3A_539 = tpu.memref_slice %arg4[%mul3A_2, %dma_wait3A_538] : memref<819200x128xf32, #tpu.memory_space<hbm>> -> memref<128x128xf32, #tpu.memory_space<hbm>>
      %dma_wait3A_540 = arith.constant 0 : i32
      %dma_wait3A_541 = tpu.memref_slice %arg4[%mul3A_2, %dma_wait3A_540] : memref<819200x128xf32, #tpu.memory_space<hbm>> -> memref<128x128xf32, #tpu.memory_space<hbm>>
      %dma_wait3A_542 = arith.constant 0 : i32
      %dma_wait3A_543 = arith.constant 0 : i32
      %dma_wait3A_544 = tpu.memref_slice %arg7[%dma_wait3A_533, %dma_wait3A_542, %dma_wait3A_543] : memref<6x128x128xf32, #tpu.memory_space<vmem>> -> memref<1x128x128xf32, #tpu.memory_space<vmem>>
      %dma_wait3A_545 = tpu.memref_squeeze %dma_wait3A_544 : memref<1x128x128xf32, #tpu.memory_space<vmem>> -> memref<128x128xf32, #tpu.memory_space<vmem>>
      tpu.wait_dma2 semaphore(%arg10 : memref<!tpu.dma_semaphore, #tpu.memory_space<semaphore_mem>>) src(%dma_wait3A_545 : memref<128x128xf32, #tpu.memory_space<vmem>>) dst(%dma_wait3A_541 : memref<128x128xf32, #tpu.memory_space<hbm>>)
      %mul3A_546 = arith.constant 6 : i32
      %mul3A_547 = arith.muli %mul3A_546, %scan3A_425 : i32
      %add3A_548 = arith.constant 4 : i32
      %add3A_549 = arith.addi %add3A_548, %mul3A_547 : i32
      %add3A_550 = arith.constant 2 : i32
      %add3A_551 = arith.addi %add3A_549, %add3A_550 : i32
      %dma_wait3A_552 = arith.constant 0 : i32
      %dma_wait3A_553 = arith.constant 0 : i32
      %dma_wait3A_554 = arith.constant 0 : i32
      %dma_wait3A_555 = arith.constant 0 : i32
      %dma_wait3A_556 = tpu.memref_slice %arg7[%dma_wait3A_553, %dma_wait3A_554, %dma_wait3A_555] : memref<6x128x128xf32, #tpu.memory_space<vmem>> -> memref<1x128x128xf32, #tpu.memory_space<vmem>>
      %dma_wait3A_557 = tpu.memref_squeeze %dma_wait3A_556 : memref<1x128x128xf32, #tpu.memory_space<vmem>> -> memref<128x128xf32, #tpu.memory_space<vmem>>
      %dma_wait3A_558 = arith.constant 0 : i32
      %dma_wait3A_559 = tpu.memref_slice %arg6[%dma_wait3A_552, %dma_wait3A_558] : memref<200x128xi32, #tpu.memory_space<vmem>> -> memref<1x128xi32, #tpu.memory_space<vmem>>
      %dma_wait3A_560 = tpu.memref_squeeze %dma_wait3A_559 : memref<1x128xi32, #tpu.memory_space<vmem>> -> memref<128xi32, #tpu.memory_space<vmem>>
      %dma_wait3A_561 = arith.constant 0 : i32
      %dma_wait3A_562 = arith.constant 0 : i32
      %dma_wait3A_563 = tpu.memref_slice %arg5[%dma_wait3A_561, %dma_wait3A_562] : memref<37x128xf32, #tpu.memory_space<vmem_shared>> -> memref<37x128xf32, #tpu.memory_space<vmem_shared>>
      tpu.wait_indirect_dma semaphore(%arg9 : memref<!tpu.dma_semaphore, #tpu.memory_space<semaphore_mem>>) src(%dma_wait3A_563 : memref<37x128xf32, #tpu.memory_space<vmem_shared>>) dst(%dma_wait3A_557 : memref<128x128xf32, #tpu.memory_space<vmem>>)
      %mul3A_564 = arith.constant 128 : i32
      %mul3A_565 = arith.muli %add3A_551, %mul3A_564 : i32
      %add3A_566 = arith.addi %mul3A_2, %mul3A_565 : i32
      %dma_start3A_567 = arith.constant 0 : i32
      %dma_start3A_568 = arith.constant 0 : i32
      %dma_start3A_569 = arith.constant 0 : i32
      %dma_start3A_570 = tpu.memref_slice %arg7[%dma_start3A_567, %dma_start3A_568, %dma_start3A_569] : memref<6x128x128xf32, #tpu.memory_space<vmem>> -> memref<1x128x128xf32, #tpu.memory_space<vmem>>
      %dma_start3A_571 = tpu.memref_squeeze %dma_start3A_570 : memref<1x128x128xf32, #tpu.memory_space<vmem>> -> memref<128x128xf32, #tpu.memory_space<vmem>>
      %dma_start3A_572 = arith.constant 0 : i32
      %dma_start3A_573 = tpu.memref_slice %arg4[%add3A_566, %dma_start3A_572] : memref<819200x128xf32, #tpu.memory_space<hbm>> -> memref<128x128xf32, #tpu.memory_space<hbm>>
      %dma_start3A_574 = arith.constant 0 : i32
      %dma_start3A_575 = tpu.memref_slice %arg4[%add3A_566, %dma_start3A_574] : memref<819200x128xf32, #tpu.memory_space<hbm>> -> memref<128x128xf32, #tpu.memory_space<hbm>>
      %dma_start3A_576 = arith.constant 0 : i32
      %dma_start3A_577 = arith.constant 0 : i32
      %dma_start3A_578 = tpu.memref_slice %arg7[%dma_start3A_567, %dma_start3A_576, %dma_start3A_577] : memref<6x128x128xf32, #tpu.memory_space<vmem>> -> memref<1x128x128xf32, #tpu.memory_space<vmem>>
      %dma_start3A_579 = tpu.memref_squeeze %dma_start3A_578 : memref<1x128x128xf32, #tpu.memory_space<vmem>> -> memref<128x128xf32, #tpu.memory_space<vmem>>
      tpu.enqueue_dma source(%dma_start3A_579 : memref<128x128xf32, #tpu.memory_space<vmem>>) target(%dma_start3A_575 : memref<128x128xf32, #tpu.memory_space<hbm>>) target_semaphore(%arg10 : memref<!tpu.dma_semaphore, #tpu.memory_space<semaphore_mem>>)
      %add3A_580 = arith.constant 4 : i32
      %add3A_581 = arith.addi %add3A_551, %add3A_580 : i32
      %dma_start3A_582 = arith.constant 4 : i32
      %dma_start3A_583 = arith.constant 0 : i32
      %dma_start3A_584 = arith.constant 0 : i32
      %dma_start3A_585 = tpu.memref_slice %arg7[%dma_start3A_582, %dma_start3A_583, %dma_start3A_584] : memref<6x128x128xf32, #tpu.memory_space<vmem>> -> memref<1x128x128xf32, #tpu.memory_space<vmem>>
      %dma_start3A_586 = tpu.memref_squeeze %dma_start3A_585 : memref<1x128x128xf32, #tpu.memory_space<vmem>> -> memref<128x128xf32, #tpu.memory_space<vmem>>
      %dma_start3A_587 = arith.constant 0 : i32
      %dma_start3A_588 = tpu.memref_slice %arg6[%add3A_581, %dma_start3A_587] : memref<200x128xi32, #tpu.memory_space<vmem>> -> memref<1x128xi32, #tpu.memory_space<vmem>>
      %dma_start3A_589 = tpu.memref_squeeze %dma_start3A_588 : memref<1x128xi32, #tpu.memory_space<vmem>> -> memref<128xi32, #tpu.memory_space<vmem>>
      %dma_start3A_590 = arith.constant 0 : i32
      %dma_start3A_591 = arith.constant 0 : i32
      %dma_start3A_592 = tpu.memref_slice %arg5[%dma_start3A_590, %dma_start3A_591] : memref<37x128xf32, #tpu.memory_space<vmem_shared>> -> memref<37x128xf32, #tpu.memory_space<vmem_shared>>
      tpu.enqueue_indirect_dma source(%dma_start3A_592 : memref<37x128xf32, #tpu.memory_space<vmem_shared>>) target(%dma_start3A_586 : memref<128x128xf32, #tpu.memory_space<vmem>>) offsets(%dma_start3A_589 : memref<128xi32, #tpu.memory_space<vmem>>) semaphore(%arg9 : memref<!tpu.dma_semaphore, #tpu.memory_space<semaphore_mem>>)
      %dma_wait3A_593 = arith.constant 5 : i32
      %dma_wait3A_594 = arith.constant 0 : i32
      %dma_wait3A_595 = arith.constant 0 : i32
      %dma_wait3A_596 = tpu.memref_slice %arg7[%dma_wait3A_593, %dma_wait3A_594, %dma_wait3A_595] : memref<6x128x128xf32, #tpu.memory_space<vmem>> -> memref<1x128x128xf32, #tpu.memory_space<vmem>>
      %dma_wait3A_597 = tpu.memref_squeeze %dma_wait3A_596 : memref<1x128x128xf32, #tpu.memory_space<vmem>> -> memref<128x128xf32, #tpu.memory_space<vmem>>
      %dma_wait3A_598 = arith.constant 0 : i32
      %dma_wait3A_599 = tpu.memref_slice %arg4[%mul3A_2, %dma_wait3A_598] : memref<819200x128xf32, #tpu.memory_space<hbm>> -> memref<128x128xf32, #tpu.memory_space<hbm>>
      %dma_wait3A_600 = arith.constant 0 : i32
      %dma_wait3A_601 = tpu.memref_slice %arg4[%mul3A_2, %dma_wait3A_600] : memref<819200x128xf32, #tpu.memory_space<hbm>> -> memref<128x128xf32, #tpu.memory_space<hbm>>
      %dma_wait3A_602 = arith.constant 0 : i32
      %dma_wait3A_603 = arith.constant 0 : i32
      %dma_wait3A_604 = tpu.memref_slice %arg7[%dma_wait3A_593, %dma_wait3A_602, %dma_wait3A_603] : memref<6x128x128xf32, #tpu.memory_space<vmem>> -> memref<1x128x128xf32, #tpu.memory_space<vmem>>
      %dma_wait3A_605 = tpu.memref_squeeze %dma_wait3A_604 : memref<1x128x128xf32, #tpu.memory_space<vmem>> -> memref<128x128xf32, #tpu.memory_space<vmem>>
      tpu.wait_dma2 semaphore(%arg10 : memref<!tpu.dma_semaphore, #tpu.memory_space<semaphore_mem>>) src(%dma_wait3A_605 : memref<128x128xf32, #tpu.memory_space<vmem>>) dst(%dma_wait3A_601 : memref<128x128xf32, #tpu.memory_space<hbm>>)
      %mul3A_606 = arith.constant 6 : i32
      %mul3A_607 = arith.muli %mul3A_606, %scan3A_425 : i32
      %add3A_608 = arith.constant 4 : i32
      %add3A_609 = arith.addi %add3A_608, %mul3A_607 : i32
      %add3A_610 = arith.constant 3 : i32
      %add3A_611 = arith.addi %add3A_609, %add3A_610 : i32
      %dma_wait3A_612 = arith.constant 0 : i32
      %dma_wait3A_613 = arith.constant 1 : i32
      %dma_wait3A_614 = arith.constant 0 : i32
      %dma_wait3A_615 = arith.constant 0 : i32
      %dma_wait3A_616 = tpu.memref_slice %arg7[%dma_wait3A_613, %dma_wait3A_614, %dma_wait3A_615] : memref<6x128x128xf32, #tpu.memory_space<vmem>> -> memref<1x128x128xf32, #tpu.memory_space<vmem>>
      %dma_wait3A_617 = tpu.memref_squeeze %dma_wait3A_616 : memref<1x128x128xf32, #tpu.memory_space<vmem>> -> memref<128x128xf32, #tpu.memory_space<vmem>>
      %dma_wait3A_618 = arith.constant 0 : i32
      %dma_wait3A_619 = tpu.memref_slice %arg6[%dma_wait3A_612, %dma_wait3A_618] : memref<200x128xi32, #tpu.memory_space<vmem>> -> memref<1x128xi32, #tpu.memory_space<vmem>>
      %dma_wait3A_620 = tpu.memref_squeeze %dma_wait3A_619 : memref<1x128xi32, #tpu.memory_space<vmem>> -> memref<128xi32, #tpu.memory_space<vmem>>
      %dma_wait3A_621 = arith.constant 0 : i32
      %dma_wait3A_622 = arith.constant 0 : i32
      %dma_wait3A_623 = tpu.memref_slice %arg5[%dma_wait3A_621, %dma_wait3A_622] : memref<37x128xf32, #tpu.memory_space<vmem_shared>> -> memref<37x128xf32, #tpu.memory_space<vmem_shared>>
      tpu.wait_indirect_dma semaphore(%arg9 : memref<!tpu.dma_semaphore, #tpu.memory_space<semaphore_mem>>) src(%dma_wait3A_623 : memref<37x128xf32, #tpu.memory_space<vmem_shared>>) dst(%dma_wait3A_617 : memref<128x128xf32, #tpu.memory_space<vmem>>)
      %mul3A_624 = arith.constant 128 : i32
      %mul3A_625 = arith.muli %add3A_611, %mul3A_624 : i32
      %add3A_626 = arith.addi %mul3A_2, %mul3A_625 : i32
      %dma_start3A_627 = arith.constant 1 : i32
      %dma_start3A_628 = arith.constant 0 : i32
      %dma_start3A_629 = arith.constant 0 : i32
      %dma_start3A_630 = tpu.memref_slice %arg7[%dma_start3A_627, %dma_start3A_628, %dma_start3A_629] : memref<6x128x128xf32, #tpu.memory_space<vmem>> -> memref<1x128x128xf32, #tpu.memory_space<vmem>>
      %dma_start3A_631 = tpu.memref_squeeze %dma_start3A_630 : memref<1x128x128xf32, #tpu.memory_space<vmem>> -> memref<128x128xf32, #tpu.memory_space<vmem>>
      %dma_start3A_632 = arith.constant 0 : i32
      %dma_start3A_633 = tpu.memref_slice %arg4[%add3A_626, %dma_start3A_632] : memref<819200x128xf32, #tpu.memory_space<hbm>> -> memref<128x128xf32, #tpu.memory_space<hbm>>
      %dma_start3A_634 = arith.constant 0 : i32
      %dma_start3A_635 = tpu.memref_slice %arg4[%add3A_626, %dma_start3A_634] : memref<819200x128xf32, #tpu.memory_space<hbm>> -> memref<128x128xf32, #tpu.memory_space<hbm>>
      %dma_start3A_636 = arith.constant 0 : i32
      %dma_start3A_637 = arith.constant 0 : i32
      %dma_start3A_638 = tpu.memref_slice %arg7[%dma_start3A_627, %dma_start3A_636, %dma_start3A_637] : memref<6x128x128xf32, #tpu.memory_space<vmem>> -> memref<1x128x128xf32, #tpu.memory_space<vmem>>
      %dma_start3A_639 = tpu.memref_squeeze %dma_start3A_638 : memref<1x128x128xf32, #tpu.memory_space<vmem>> -> memref<128x128xf32, #tpu.memory_space<vmem>>
      tpu.enqueue_dma source(%dma_start3A_639 : memref<128x128xf32, #tpu.memory_space<vmem>>) target(%dma_start3A_635 : memref<128x128xf32, #tpu.memory_space<hbm>>) target_semaphore(%arg10 : memref<!tpu.dma_semaphore, #tpu.memory_space<semaphore_mem>>)
      %add3A_640 = arith.constant 4 : i32
      %add3A_641 = arith.addi %add3A_611, %add3A_640 : i32
      %dma_start3A_642 = arith.constant 5 : i32
      %dma_start3A_643 = arith.constant 0 : i32
      %dma_start3A_644 = arith.constant 0 : i32
      %dma_start3A_645 = tpu.memref_slice %arg7[%dma_start3A_642, %dma_start3A_643, %dma_start3A_644] : memref<6x128x128xf32, #tpu.memory_space<vmem>> -> memref<1x128x128xf32, #tpu.memory_space<vmem>>
      %dma_start3A_646 = tpu.memref_squeeze %dma_start3A_645 : memref<1x128x128xf32, #tpu.memory_space<vmem>> -> memref<128x128xf32, #tpu.memory_space<vmem>>
      %dma_start3A_647 = arith.constant 0 : i32
      %dma_start3A_648 = tpu.memref_slice %arg6[%add3A_641, %dma_start3A_647] : memref<200x128xi32, #tpu.memory_space<vmem>> -> memref<1x128xi32, #tpu.memory_space<vmem>>
      %dma_start3A_649 = tpu.memref_squeeze %dma_start3A_648 : memref<1x128xi32, #tpu.memory_space<vmem>> -> memref<128xi32, #tpu.memory_space<vmem>>
      %dma_start3A_650 = arith.constant 0 : i32
      %dma_start3A_651 = arith.constant 0 : i32
      %dma_start3A_652 = tpu.memref_slice %arg5[%dma_start3A_650, %dma_start3A_651] : memref<37x128xf32, #tpu.memory_space<vmem_shared>> -> memref<37x128xf32, #tpu.memory_space<vmem_shared>>
      tpu.enqueue_indirect_dma source(%dma_start3A_652 : memref<37x128xf32, #tpu.memory_space<vmem_shared>>) target(%dma_start3A_646 : memref<128x128xf32, #tpu.memory_space<vmem>>) offsets(%dma_start3A_649 : memref<128xi32, #tpu.memory_space<vmem>>) semaphore(%arg9 : memref<!tpu.dma_semaphore, #tpu.memory_space<semaphore_mem>>)
      %dma_wait3A_653 = arith.constant 0 : i32
      %dma_wait3A_654 = arith.constant 0 : i32
      %dma_wait3A_655 = arith.constant 0 : i32
      %dma_wait3A_656 = tpu.memref_slice %arg7[%dma_wait3A_653, %dma_wait3A_654, %dma_wait3A_655] : memref<6x128x128xf32, #tpu.memory_space<vmem>> -> memref<1x128x128xf32, #tpu.memory_space<vmem>>
      %dma_wait3A_657 = tpu.memref_squeeze %dma_wait3A_656 : memref<1x128x128xf32, #tpu.memory_space<vmem>> -> memref<128x128xf32, #tpu.memory_space<vmem>>
      %dma_wait3A_658 = arith.constant 0 : i32
      %dma_wait3A_659 = tpu.memref_slice %arg4[%mul3A_2, %dma_wait3A_658] : memref<819200x128xf32, #tpu.memory_space<hbm>> -> memref<128x128xf32, #tpu.memory_space<hbm>>
      %dma_wait3A_660 = arith.constant 0 : i32
      %dma_wait3A_661 = tpu.memref_slice %arg4[%mul3A_2, %dma_wait3A_660] : memref<819200x128xf32, #tpu.memory_space<hbm>> -> memref<128x128xf32, #tpu.memory_space<hbm>>
      %dma_wait3A_662 = arith.constant 0 : i32
      %dma_wait3A_663 = arith.constant 0 : i32
      %dma_wait3A_664 = tpu.memref_slice %arg7[%dma_wait3A_653, %dma_wait3A_662, %dma_wait3A_663] : memref<6x128x128xf32, #tpu.memory_space<vmem>> -> memref<1x128x128xf32, #tpu.memory_space<vmem>>
      %dma_wait3A_665 = tpu.memref_squeeze %dma_wait3A_664 : memref<1x128x128xf32, #tpu.memory_space<vmem>> -> memref<128x128xf32, #tpu.memory_space<vmem>>
      tpu.wait_dma2 semaphore(%arg10 : memref<!tpu.dma_semaphore, #tpu.memory_space<semaphore_mem>>) src(%dma_wait3A_665 : memref<128x128xf32, #tpu.memory_space<vmem>>) dst(%dma_wait3A_661 : memref<128x128xf32, #tpu.memory_space<hbm>>)
      %mul3A_666 = arith.constant 6 : i32
      %mul3A_667 = arith.muli %mul3A_666, %scan3A_425 : i32
      %add3A_668 = arith.constant 4 : i32
      %add3A_669 = arith.addi %add3A_668, %mul3A_667 : i32
      %add3A_670 = arith.constant 4 : i32
      %add3A_671 = arith.addi %add3A_669, %add3A_670 : i32
      %dma_wait3A_672 = arith.constant 0 : i32
      %dma_wait3A_673 = arith.constant 2 : i32
      %dma_wait3A_674 = arith.constant 0 : i32
      %dma_wait3A_675 = arith.constant 0 : i32
      %dma_wait3A_676 = tpu.memref_slice %arg7[%dma_wait3A_673, %dma_wait3A_674, %dma_wait3A_675] : memref<6x128x128xf32, #tpu.memory_space<vmem>> -> memref<1x128x128xf32, #tpu.memory_space<vmem>>
      %dma_wait3A_677 = tpu.memref_squeeze %dma_wait3A_676 : memref<1x128x128xf32, #tpu.memory_space<vmem>> -> memref<128x128xf32, #tpu.memory_space<vmem>>
      %dma_wait3A_678 = arith.constant 0 : i32
      %dma_wait3A_679 = tpu.memref_slice %arg6[%dma_wait3A_672, %dma_wait3A_678] : memref<200x128xi32, #tpu.memory_space<vmem>> -> memref<1x128xi32, #tpu.memory_space<vmem>>
      %dma_wait3A_680 = tpu.memref_squeeze %dma_wait3A_679 : memref<1x128xi32, #tpu.memory_space<vmem>> -> memref<128xi32, #tpu.memory_space<vmem>>
      %dma_wait3A_681 = arith.constant 0 : i32
      %dma_wait3A_682 = arith.constant 0 : i32
      %dma_wait3A_683 = tpu.memref_slice %arg5[%dma_wait3A_681, %dma_wait3A_682] : memref<37x128xf32, #tpu.memory_space<vmem_shared>> -> memref<37x128xf32, #tpu.memory_space<vmem_shared>>
      tpu.wait_indirect_dma semaphore(%arg9 : memref<!tpu.dma_semaphore, #tpu.memory_space<semaphore_mem>>) src(%dma_wait3A_683 : memref<37x128xf32, #tpu.memory_space<vmem_shared>>) dst(%dma_wait3A_677 : memref<128x128xf32, #tpu.memory_space<vmem>>)
      %mul3A_684 = arith.constant 128 : i32
      %mul3A_685 = arith.muli %add3A_671, %mul3A_684 : i32
      %add3A_686 = arith.addi %mul3A_2, %mul3A_685 : i32
      %dma_start3A_687 = arith.constant 2 : i32
      %dma_start3A_688 = arith.constant 0 : i32
      %dma_start3A_689 = arith.constant 0 : i32
      %dma_start3A_690 = tpu.memref_slice %arg7[%dma_start3A_687, %dma_start3A_688, %dma_start3A_689] : memref<6x128x128xf32, #tpu.memory_space<vmem>> -> memref<1x128x128xf32, #tpu.memory_space<vmem>>
      %dma_start3A_691 = tpu.memref_squeeze %dma_start3A_690 : memref<1x128x128xf32, #tpu.memory_space<vmem>> -> memref<128x128xf32, #tpu.memory_space<vmem>>
      %dma_start3A_692 = arith.constant 0 : i32
      %dma_start3A_693 = tpu.memref_slice %arg4[%add3A_686, %dma_start3A_692] : memref<819200x128xf32, #tpu.memory_space<hbm>> -> memref<128x128xf32, #tpu.memory_space<hbm>>
      %dma_start3A_694 = arith.constant 0 : i32
      %dma_start3A_695 = tpu.memref_slice %arg4[%add3A_686, %dma_start3A_694] : memref<819200x128xf32, #tpu.memory_space<hbm>> -> memref<128x128xf32, #tpu.memory_space<hbm>>
      %dma_start3A_696 = arith.constant 0 : i32
      %dma_start3A_697 = arith.constant 0 : i32
      %dma_start3A_698 = tpu.memref_slice %arg7[%dma_start3A_687, %dma_start3A_696, %dma_start3A_697] : memref<6x128x128xf32, #tpu.memory_space<vmem>> -> memref<1x128x128xf32, #tpu.memory_space<vmem>>
      %dma_start3A_699 = tpu.memref_squeeze %dma_start3A_698 : memref<1x128x128xf32, #tpu.memory_space<vmem>> -> memref<128x128xf32, #tpu.memory_space<vmem>>
      tpu.enqueue_dma source(%dma_start3A_699 : memref<128x128xf32, #tpu.memory_space<vmem>>) target(%dma_start3A_695 : memref<128x128xf32, #tpu.memory_space<hbm>>) target_semaphore(%arg10 : memref<!tpu.dma_semaphore, #tpu.memory_space<semaphore_mem>>)
      %add3A_700 = arith.constant 4 : i32
      %add3A_701 = arith.addi %add3A_671, %add3A_700 : i32
      %dma_start3A_702 = arith.constant 0 : i32
      %dma_start3A_703 = arith.constant 0 : i32
      %dma_start3A_704 = arith.constant 0 : i32
      %dma_start3A_705 = tpu.memref_slice %arg7[%dma_start3A_702, %dma_start3A_703, %dma_start3A_704] : memref<6x128x128xf32, #tpu.memory_space<vmem>> -> memref<1x128x128xf32, #tpu.memory_space<vmem>>
      %dma_start3A_706 = tpu.memref_squeeze %dma_start3A_705 : memref<1x128x128xf32, #tpu.memory_space<vmem>> -> memref<128x128xf32, #tpu.memory_space<vmem>>
      %dma_start3A_707 = arith.constant 0 : i32
      %dma_start3A_708 = tpu.memref_slice %arg6[%add3A_701, %dma_start3A_707] : memref<200x128xi32, #tpu.memory_space<vmem>> -> memref<1x128xi32, #tpu.memory_space<vmem>>
      %dma_start3A_709 = tpu.memref_squeeze %dma_start3A_708 : memref<1x128xi32, #tpu.memory_space<vmem>> -> memref<128xi32, #tpu.memory_space<vmem>>
      %dma_start3A_710 = arith.constant 0 : i32
      %dma_start3A_711 = arith.constant 0 : i32
      %dma_start3A_712 = tpu.memref_slice %arg5[%dma_start3A_710, %dma_start3A_711] : memref<37x128xf32, #tpu.memory_space<vmem_shared>> -> memref<37x128xf32, #tpu.memory_space<vmem_shared>>
      tpu.enqueue_indirect_dma source(%dma_start3A_712 : memref<37x128xf32, #tpu.memory_space<vmem_shared>>) target(%dma_start3A_706 : memref<128x128xf32, #tpu.memory_space<vmem>>) offsets(%dma_start3A_709 : memref<128xi32, #tpu.memory_space<vmem>>) semaphore(%arg9 : memref<!tpu.dma_semaphore, #tpu.memory_space<semaphore_mem>>)
      %dma_wait3A_713 = arith.constant 1 : i32
      %dma_wait3A_714 = arith.constant 0 : i32
      %dma_wait3A_715 = arith.constant 0 : i32
      %dma_wait3A_716 = tpu.memref_slice %arg7[%dma_wait3A_713, %dma_wait3A_714, %dma_wait3A_715] : memref<6x128x128xf32, #tpu.memory_space<vmem>> -> memref<1x128x128xf32, #tpu.memory_space<vmem>>
      %dma_wait3A_717 = tpu.memref_squeeze %dma_wait3A_716 : memref<1x128x128xf32, #tpu.memory_space<vmem>> -> memref<128x128xf32, #tpu.memory_space<vmem>>
      %dma_wait3A_718 = arith.constant 0 : i32
      %dma_wait3A_719 = tpu.memref_slice %arg4[%mul3A_2, %dma_wait3A_718] : memref<819200x128xf32, #tpu.memory_space<hbm>> -> memref<128x128xf32, #tpu.memory_space<hbm>>
      %dma_wait3A_720 = arith.constant 0 : i32
      %dma_wait3A_721 = tpu.memref_slice %arg4[%mul3A_2, %dma_wait3A_720] : memref<819200x128xf32, #tpu.memory_space<hbm>> -> memref<128x128xf32, #tpu.memory_space<hbm>>
      %dma_wait3A_722 = arith.constant 0 : i32
      %dma_wait3A_723 = arith.constant 0 : i32
      %dma_wait3A_724 = tpu.memref_slice %arg7[%dma_wait3A_713, %dma_wait3A_722, %dma_wait3A_723] : memref<6x128x128xf32, #tpu.memory_space<vmem>> -> memref<1x128x128xf32, #tpu.memory_space<vmem>>
      %dma_wait3A_725 = tpu.memref_squeeze %dma_wait3A_724 : memref<1x128x128xf32, #tpu.memory_space<vmem>> -> memref<128x128xf32, #tpu.memory_space<vmem>>
      tpu.wait_dma2 semaphore(%arg10 : memref<!tpu.dma_semaphore, #tpu.memory_space<semaphore_mem>>) src(%dma_wait3A_725 : memref<128x128xf32, #tpu.memory_space<vmem>>) dst(%dma_wait3A_721 : memref<128x128xf32, #tpu.memory_space<hbm>>)
      %mul3A_726 = arith.constant 6 : i32
      %mul3A_727 = arith.muli %mul3A_726, %scan3A_425 : i32
      %add3A_728 = arith.constant 4 : i32
      %add3A_729 = arith.addi %add3A_728, %mul3A_727 : i32
      %add3A_730 = arith.constant 5 : i32
      %add3A_731 = arith.addi %add3A_729, %add3A_730 : i32
      %dma_wait3A_732 = arith.constant 0 : i32
      %dma_wait3A_733 = arith.constant 3 : i32
      %dma_wait3A_734 = arith.constant 0 : i32
      %dma_wait3A_735 = arith.constant 0 : i32
      %dma_wait3A_736 = tpu.memref_slice %arg7[%dma_wait3A_733, %dma_wait3A_734, %dma_wait3A_735] : memref<6x128x128xf32, #tpu.memory_space<vmem>> -> memref<1x128x128xf32, #tpu.memory_space<vmem>>
      %dma_wait3A_737 = tpu.memref_squeeze %dma_wait3A_736 : memref<1x128x128xf32, #tpu.memory_space<vmem>> -> memref<128x128xf32, #tpu.memory_space<vmem>>
      %dma_wait3A_738 = arith.constant 0 : i32
      %dma_wait3A_739 = tpu.memref_slice %arg6[%dma_wait3A_732, %dma_wait3A_738] : memref<200x128xi32, #tpu.memory_space<vmem>> -> memref<1x128xi32, #tpu.memory_space<vmem>>
      %dma_wait3A_740 = tpu.memref_squeeze %dma_wait3A_739 : memref<1x128xi32, #tpu.memory_space<vmem>> -> memref<128xi32, #tpu.memory_space<vmem>>
      %dma_wait3A_741 = arith.constant 0 : i32
      %dma_wait3A_742 = arith.constant 0 : i32
      %dma_wait3A_743 = tpu.memref_slice %arg5[%dma_wait3A_741, %dma_wait3A_742] : memref<37x128xf32, #tpu.memory_space<vmem_shared>> -> memref<37x128xf32, #tpu.memory_space<vmem_shared>>
      tpu.wait_indirect_dma semaphore(%arg9 : memref<!tpu.dma_semaphore, #tpu.memory_space<semaphore_mem>>) src(%dma_wait3A_743 : memref<37x128xf32, #tpu.memory_space<vmem_shared>>) dst(%dma_wait3A_737 : memref<128x128xf32, #tpu.memory_space<vmem>>)
      %mul3A_744 = arith.constant 128 : i32
      %mul3A_745 = arith.muli %add3A_731, %mul3A_744 : i32
      %add3A_746 = arith.addi %mul3A_2, %mul3A_745 : i32
      %dma_start3A_747 = arith.constant 3 : i32
      %dma_start3A_748 = arith.constant 0 : i32
      %dma_start3A_749 = arith.constant 0 : i32
      %dma_start3A_750 = tpu.memref_slice %arg7[%dma_start3A_747, %dma_start3A_748, %dma_start3A_749] : memref<6x128x128xf32, #tpu.memory_space<vmem>> -> memref<1x128x128xf32, #tpu.memory_space<vmem>>
      %dma_start3A_751 = tpu.memref_squeeze %dma_start3A_750 : memref<1x128x128xf32, #tpu.memory_space<vmem>> -> memref<128x128xf32, #tpu.memory_space<vmem>>
      %dma_start3A_752 = arith.constant 0 : i32
      %dma_start3A_753 = tpu.memref_slice %arg4[%add3A_746, %dma_start3A_752] : memref<819200x128xf32, #tpu.memory_space<hbm>> -> memref<128x128xf32, #tpu.memory_space<hbm>>
      %dma_start3A_754 = arith.constant 0 : i32
      %dma_start3A_755 = tpu.memref_slice %arg4[%add3A_746, %dma_start3A_754] : memref<819200x128xf32, #tpu.memory_space<hbm>> -> memref<128x128xf32, #tpu.memory_space<hbm>>
      %dma_start3A_756 = arith.constant 0 : i32
      %dma_start3A_757 = arith.constant 0 : i32
      %dma_start3A_758 = tpu.memref_slice %arg7[%dma_start3A_747, %dma_start3A_756, %dma_start3A_757] : memref<6x128x128xf32, #tpu.memory_space<vmem>> -> memref<1x128x128xf32, #tpu.memory_space<vmem>>
      %dma_start3A_759 = tpu.memref_squeeze %dma_start3A_758 : memref<1x128x128xf32, #tpu.memory_space<vmem>> -> memref<128x128xf32, #tpu.memory_space<vmem>>
      tpu.enqueue_dma source(%dma_start3A_759 : memref<128x128xf32, #tpu.memory_space<vmem>>) target(%dma_start3A_755 : memref<128x128xf32, #tpu.memory_space<hbm>>) target_semaphore(%arg10 : memref<!tpu.dma_semaphore, #tpu.memory_space<semaphore_mem>>)
      %add3A_760 = arith.constant 4 : i32
      %add3A_761 = arith.addi %add3A_731, %add3A_760 : i32
      %dma_start3A_762 = arith.constant 1 : i32
      %dma_start3A_763 = arith.constant 0 : i32
      %dma_start3A_764 = arith.constant 0 : i32
      %dma_start3A_765 = tpu.memref_slice %arg7[%dma_start3A_762, %dma_start3A_763, %dma_start3A_764] : memref<6x128x128xf32, #tpu.memory_space<vmem>> -> memref<1x128x128xf32, #tpu.memory_space<vmem>>
      %dma_start3A_766 = tpu.memref_squeeze %dma_start3A_765 : memref<1x128x128xf32, #tpu.memory_space<vmem>> -> memref<128x128xf32, #tpu.memory_space<vmem>>
      %dma_start3A_767 = arith.constant 0 : i32
      %dma_start3A_768 = tpu.memref_slice %arg6[%add3A_761, %dma_start3A_767] : memref<200x128xi32, #tpu.memory_space<vmem>> -> memref<1x128xi32, #tpu.memory_space<vmem>>
      %dma_start3A_769 = tpu.memref_squeeze %dma_start3A_768 : memref<1x128xi32, #tpu.memory_space<vmem>> -> memref<128xi32, #tpu.memory_space<vmem>>
      %dma_start3A_770 = arith.constant 0 : i32
      %dma_start3A_771 = arith.constant 0 : i32
      %dma_start3A_772 = tpu.memref_slice %arg5[%dma_start3A_770, %dma_start3A_771] : memref<37x128xf32, #tpu.memory_space<vmem_shared>> -> memref<37x128xf32, #tpu.memory_space<vmem_shared>>
      tpu.enqueue_indirect_dma source(%dma_start3A_772 : memref<37x128xf32, #tpu.memory_space<vmem_shared>>) target(%dma_start3A_766 : memref<128x128xf32, #tpu.memory_space<vmem>>) offsets(%dma_start3A_769 : memref<128xi32, #tpu.memory_space<vmem>>) semaphore(%arg9 : memref<!tpu.dma_semaphore, #tpu.memory_space<semaphore_mem>>)
      %dma_wait3A_773 = arith.constant 2 : i32
      %dma_wait3A_774 = arith.constant 0 : i32
      %dma_wait3A_775 = arith.constant 0 : i32
      %dma_wait3A_776 = tpu.memref_slice %arg7[%dma_wait3A_773, %dma_wait3A_774, %dma_wait3A_775] : memref<6x128x128xf32, #tpu.memory_space<vmem>> -> memref<1x128x128xf32, #tpu.memory_space<vmem>>
      %dma_wait3A_777 = tpu.memref_squeeze %dma_wait3A_776 : memref<1x128x128xf32, #tpu.memory_space<vmem>> -> memref<128x128xf32, #tpu.memory_space<vmem>>
      %dma_wait3A_778 = arith.constant 0 : i32
      %dma_wait3A_779 = tpu.memref_slice %arg4[%mul3A_2, %dma_wait3A_778] : memref<819200x128xf32, #tpu.memory_space<hbm>> -> memref<128x128xf32, #tpu.memory_space<hbm>>
      %dma_wait3A_780 = arith.constant 0 : i32
      %dma_wait3A_781 = tpu.memref_slice %arg4[%mul3A_2, %dma_wait3A_780] : memref<819200x128xf32, #tpu.memory_space<hbm>> -> memref<128x128xf32, #tpu.memory_space<hbm>>
      %dma_wait3A_782 = arith.constant 0 : i32
      %dma_wait3A_783 = arith.constant 0 : i32
      %dma_wait3A_784 = tpu.memref_slice %arg7[%dma_wait3A_773, %dma_wait3A_782, %dma_wait3A_783] : memref<6x128x128xf32, #tpu.memory_space<vmem>> -> memref<1x128x128xf32, #tpu.memory_space<vmem>>
      %dma_wait3A_785 = tpu.memref_squeeze %dma_wait3A_784 : memref<1x128x128xf32, #tpu.memory_space<vmem>> -> memref<128x128xf32, #tpu.memory_space<vmem>>
      tpu.wait_dma2 semaphore(%arg10 : memref<!tpu.dma_semaphore, #tpu.memory_space<semaphore_mem>>) src(%dma_wait3A_785 : memref<128x128xf32, #tpu.memory_space<vmem>>) dst(%dma_wait3A_781 : memref<128x128xf32, #tpu.memory_space<hbm>>)
    }
    %scan3A_251 = arith.constant 32 : i32
    %dma_wait3A_252 = arith.constant 0 : i32
    %dma_wait3A_253 = arith.constant 4 : i32
    %dma_wait3A_254 = arith.constant 0 : i32
    %dma_wait3A_255 = arith.constant 0 : i32
    %dma_wait3A_256 = tpu.memref_slice %arg7[%dma_wait3A_253, %dma_wait3A_254, %dma_wait3A_255] : memref<6x128x128xf32, #tpu.memory_space<vmem>> -> memref<1x128x128xf32, #tpu.memory_space<vmem>>
    %dma_wait3A_257 = tpu.memref_squeeze %dma_wait3A_256 : memref<1x128x128xf32, #tpu.memory_space<vmem>> -> memref<128x128xf32, #tpu.memory_space<vmem>>
    %dma_wait3A_258 = arith.constant 0 : i32
    %dma_wait3A_259 = tpu.memref_slice %arg6[%dma_wait3A_252, %dma_wait3A_258] : memref<200x128xi32, #tpu.memory_space<vmem>> -> memref<1x128xi32, #tpu.memory_space<vmem>>
    %dma_wait3A_260 = tpu.memref_squeeze %dma_wait3A_259 : memref<1x128xi32, #tpu.memory_space<vmem>> -> memref<128xi32, #tpu.memory_space<vmem>>
    %dma_wait3A_261 = arith.constant 0 : i32
    %dma_wait3A_262 = arith.constant 0 : i32
    %dma_wait3A_263 = tpu.memref_slice %arg5[%dma_wait3A_261, %dma_wait3A_262] : memref<37x128xf32, #tpu.memory_space<vmem_shared>> -> memref<37x128xf32, #tpu.memory_space<vmem_shared>>
    tpu.wait_indirect_dma semaphore(%arg9 : memref<!tpu.dma_semaphore, #tpu.memory_space<semaphore_mem>>) src(%dma_wait3A_263 : memref<37x128xf32, #tpu.memory_space<vmem_shared>>) dst(%dma_wait3A_257 : memref<128x128xf32, #tpu.memory_space<vmem>>)
    %add3A_264 = arith.constant 25088 : i32
    %add3A_265 = arith.addi %mul3A_2, %add3A_264 : i32
    %dma_start3A_266 = arith.constant 4 : i32
    %dma_start3A_267 = arith.constant 0 : i32
    %dma_start3A_268 = arith.constant 0 : i32
    %dma_start3A_269 = tpu.memref_slice %arg7[%dma_start3A_266, %dma_start3A_267, %dma_start3A_268] : memref<6x128x128xf32, #tpu.memory_space<vmem>> -> memref<1x128x128xf32, #tpu.memory_space<vmem>>
    %dma_start3A_270 = tpu.memref_squeeze %dma_start3A_269 : memref<1x128x128xf32, #tpu.memory_space<vmem>> -> memref<128x128xf32, #tpu.memory_space<vmem>>
    %dma_start3A_271 = arith.constant 0 : i32
    %dma_start3A_272 = tpu.memref_slice %arg4[%add3A_265, %dma_start3A_271] : memref<819200x128xf32, #tpu.memory_space<hbm>> -> memref<128x128xf32, #tpu.memory_space<hbm>>
    %dma_start3A_273 = arith.constant 0 : i32
    %dma_start3A_274 = tpu.memref_slice %arg4[%add3A_265, %dma_start3A_273] : memref<819200x128xf32, #tpu.memory_space<hbm>> -> memref<128x128xf32, #tpu.memory_space<hbm>>
    %dma_start3A_275 = arith.constant 0 : i32
    %dma_start3A_276 = arith.constant 0 : i32
    %dma_start3A_277 = tpu.memref_slice %arg7[%dma_start3A_266, %dma_start3A_275, %dma_start3A_276] : memref<6x128x128xf32, #tpu.memory_space<vmem>> -> memref<1x128x128xf32, #tpu.memory_space<vmem>>
    %dma_start3A_278 = tpu.memref_squeeze %dma_start3A_277 : memref<1x128x128xf32, #tpu.memory_space<vmem>> -> memref<128x128xf32, #tpu.memory_space<vmem>>
    tpu.enqueue_dma source(%dma_start3A_278 : memref<128x128xf32, #tpu.memory_space<vmem>>) target(%dma_start3A_274 : memref<128x128xf32, #tpu.memory_space<hbm>>) target_semaphore(%arg10 : memref<!tpu.dma_semaphore, #tpu.memory_space<semaphore_mem>>)
    %dma_wait3A_279 = arith.constant 3 : i32
    %dma_wait3A_280 = arith.constant 0 : i32
    %dma_wait3A_281 = arith.constant 0 : i32
    %dma_wait3A_282 = tpu.memref_slice %arg7[%dma_wait3A_279, %dma_wait3A_280, %dma_wait3A_281] : memref<6x128x128xf32, #tpu.memory_space<vmem>> -> memref<1x128x128xf32, #tpu.memory_space<vmem>>
    %dma_wait3A_283 = tpu.memref_squeeze %dma_wait3A_282 : memref<1x128x128xf32, #tpu.memory_space<vmem>> -> memref<128x128xf32, #tpu.memory_space<vmem>>
    %dma_wait3A_284 = arith.constant 0 : i32
    %dma_wait3A_285 = tpu.memref_slice %arg4[%mul3A_2, %dma_wait3A_284] : memref<819200x128xf32, #tpu.memory_space<hbm>> -> memref<128x128xf32, #tpu.memory_space<hbm>>
    %dma_wait3A_286 = arith.constant 0 : i32
    %dma_wait3A_287 = tpu.memref_slice %arg4[%mul3A_2, %dma_wait3A_286] : memref<819200x128xf32, #tpu.memory_space<hbm>> -> memref<128x128xf32, #tpu.memory_space<hbm>>
    %dma_wait3A_288 = arith.constant 0 : i32
    %dma_wait3A_289 = arith.constant 0 : i32
    %dma_wait3A_290 = tpu.memref_slice %arg7[%dma_wait3A_279, %dma_wait3A_288, %dma_wait3A_289] : memref<6x128x128xf32, #tpu.memory_space<vmem>> -> memref<1x128x128xf32, #tpu.memory_space<vmem>>
    %dma_wait3A_291 = tpu.memref_squeeze %dma_wait3A_290 : memref<1x128x128xf32, #tpu.memory_space<vmem>> -> memref<128x128xf32, #tpu.memory_space<vmem>>
    tpu.wait_dma2 semaphore(%arg10 : memref<!tpu.dma_semaphore, #tpu.memory_space<semaphore_mem>>) src(%dma_wait3A_291 : memref<128x128xf32, #tpu.memory_space<vmem>>) dst(%dma_wait3A_287 : memref<128x128xf32, #tpu.memory_space<hbm>>)
    %dma_wait3A_292 = arith.constant 0 : i32
    %dma_wait3A_293 = arith.constant 5 : i32
    %dma_wait3A_294 = arith.constant 0 : i32
    %dma_wait3A_295 = arith.constant 0 : i32
    %dma_wait3A_296 = tpu.memref_slice %arg7[%dma_wait3A_293, %dma_wait3A_294, %dma_wait3A_295] : memref<6x128x128xf32, #tpu.memory_space<vmem>> -> memref<1x128x128xf32, #tpu.memory_space<vmem>>
    %dma_wait3A_297 = tpu.memref_squeeze %dma_wait3A_296 : memref<1x128x128xf32, #tpu.memory_space<vmem>> -> memref<128x128xf32, #tpu.memory_space<vmem>>
    %dma_wait3A_298 = arith.constant 0 : i32
    %dma_wait3A_299 = tpu.memref_slice %arg6[%dma_wait3A_292, %dma_wait3A_298] : memref<200x128xi32, #tpu.memory_space<vmem>> -> memref<1x128xi32, #tpu.memory_space<vmem>>
    %dma_wait3A_300 = tpu.memref_squeeze %dma_wait3A_299 : memref<1x128xi32, #tpu.memory_space<vmem>> -> memref<128xi32, #tpu.memory_space<vmem>>
    %dma_wait3A_301 = arith.constant 0 : i32
    %dma_wait3A_302 = arith.constant 0 : i32
    %dma_wait3A_303 = tpu.memref_slice %arg5[%dma_wait3A_301, %dma_wait3A_302] : memref<37x128xf32, #tpu.memory_space<vmem_shared>> -> memref<37x128xf32, #tpu.memory_space<vmem_shared>>
    tpu.wait_indirect_dma semaphore(%arg9 : memref<!tpu.dma_semaphore, #tpu.memory_space<semaphore_mem>>) src(%dma_wait3A_303 : memref<37x128xf32, #tpu.memory_space<vmem_shared>>) dst(%dma_wait3A_297 : memref<128x128xf32, #tpu.memory_space<vmem>>)
    %add3A_304 = arith.constant 25216 : i32
    %add3A_305 = arith.addi %mul3A_2, %add3A_304 : i32
    %dma_start3A_306 = arith.constant 5 : i32
    %dma_start3A_307 = arith.constant 0 : i32
    %dma_start3A_308 = arith.constant 0 : i32
    %dma_start3A_309 = tpu.memref_slice %arg7[%dma_start3A_306, %dma_start3A_307, %dma_start3A_308] : memref<6x128x128xf32, #tpu.memory_space<vmem>> -> memref<1x128x128xf32, #tpu.memory_space<vmem>>
    %dma_start3A_310 = tpu.memref_squeeze %dma_start3A_309 : memref<1x128x128xf32, #tpu.memory_space<vmem>> -> memref<128x128xf32, #tpu.memory_space<vmem>>
    %dma_start3A_311 = arith.constant 0 : i32
    %dma_start3A_312 = tpu.memref_slice %arg4[%add3A_305, %dma_start3A_311] : memref<819200x128xf32, #tpu.memory_space<hbm>> -> memref<128x128xf32, #tpu.memory_space<hbm>>
    %dma_start3A_313 = arith.constant 0 : i32
    %dma_start3A_314 = tpu.memref_slice %arg4[%add3A_305, %dma_start3A_313] : memref<819200x128xf32, #tpu.memory_space<hbm>> -> memref<128x128xf32, #tpu.memory_space<hbm>>
    %dma_start3A_315 = arith.constant 0 : i32
    %dma_start3A_316 = arith.constant 0 : i32
    %dma_start3A_317 = tpu.memref_slice %arg7[%dma_start3A_306, %dma_start3A_315, %dma_start3A_316] : memref<6x128x128xf32, #tpu.memory_space<vmem>> -> memref<1x128x128xf32, #tpu.memory_space<vmem>>
    %dma_start3A_318 = tpu.memref_squeeze %dma_start3A_317 : memref<1x128x128xf32, #tpu.memory_space<vmem>> -> memref<128x128xf32, #tpu.memory_space<vmem>>
    tpu.enqueue_dma source(%dma_start3A_318 : memref<128x128xf32, #tpu.memory_space<vmem>>) target(%dma_start3A_314 : memref<128x128xf32, #tpu.memory_space<hbm>>) target_semaphore(%arg10 : memref<!tpu.dma_semaphore, #tpu.memory_space<semaphore_mem>>)
    %dma_wait3A_319 = arith.constant 4 : i32
    %dma_wait3A_320 = arith.constant 0 : i32
    %dma_wait3A_321 = arith.constant 0 : i32
    %dma_wait3A_322 = tpu.memref_slice %arg7[%dma_wait3A_319, %dma_wait3A_320, %dma_wait3A_321] : memref<6x128x128xf32, #tpu.memory_space<vmem>> -> memref<1x128x128xf32, #tpu.memory_space<vmem>>
    %dma_wait3A_323 = tpu.memref_squeeze %dma_wait3A_322 : memref<1x128x128xf32, #tpu.memory_space<vmem>> -> memref<128x128xf32, #tpu.memory_space<vmem>>
    %dma_wait3A_324 = arith.constant 0 : i32
    %dma_wait3A_325 = tpu.memref_slice %arg4[%mul3A_2, %dma_wait3A_324] : memref<819200x128xf32, #tpu.memory_space<hbm>> -> memref<128x128xf32, #tpu.memory_space<hbm>>
    %dma_wait3A_326 = arith.constant 0 : i32
    %dma_wait3A_327 = tpu.memref_slice %arg4[%mul3A_2, %dma_wait3A_326] : memref<819200x128xf32, #tpu.memory_space<hbm>> -> memref<128x128xf32, #tpu.memory_space<hbm>>
    %dma_wait3A_328 = arith.constant 0 : i32
    %dma_wait3A_329 = arith.constant 0 : i32
    %dma_wait3A_330 = tpu.memref_slice %arg7[%dma_wait3A_319, %dma_wait3A_328, %dma_wait3A_329] : memref<6x128x128xf32, #tpu.memory_space<vmem>> -> memref<1x128x128xf32, #tpu.memory_space<vmem>>
    %dma_wait3A_331 = tpu.memref_squeeze %dma_wait3A_330 : memref<1x128x128xf32, #tpu.memory_space<vmem>> -> memref<128x128xf32, #tpu.memory_space<vmem>>
    tpu.wait_dma2 semaphore(%arg10 : memref<!tpu.dma_semaphore, #tpu.memory_space<semaphore_mem>>) src(%dma_wait3A_331 : memref<128x128xf32, #tpu.memory_space<vmem>>) dst(%dma_wait3A_327 : memref<128x128xf32, #tpu.memory_space<hbm>>)
    %dma_wait3A_332 = arith.constant 0 : i32
    %dma_wait3A_333 = arith.constant 0 : i32
    %dma_wait3A_334 = arith.constant 0 : i32
    %dma_wait3A_335 = arith.constant 0 : i32
    %dma_wait3A_336 = tpu.memref_slice %arg7[%dma_wait3A_333, %dma_wait3A_334, %dma_wait3A_335] : memref<6x128x128xf32, #tpu.memory_space<vmem>> -> memref<1x128x128xf32, #tpu.memory_space<vmem>>
    %dma_wait3A_337 = tpu.memref_squeeze %dma_wait3A_336 : memref<1x128x128xf32, #tpu.memory_space<vmem>> -> memref<128x128xf32, #tpu.memory_space<vmem>>
    %dma_wait3A_338 = arith.constant 0 : i32
    %dma_wait3A_339 = tpu.memref_slice %arg6[%dma_wait3A_332, %dma_wait3A_338] : memref<200x128xi32, #tpu.memory_space<vmem>> -> memref<1x128xi32, #tpu.memory_space<vmem>>
    %dma_wait3A_340 = tpu.memref_squeeze %dma_wait3A_339 : memref<1x128xi32, #tpu.memory_space<vmem>> -> memref<128xi32, #tpu.memory_space<vmem>>
    %dma_wait3A_341 = arith.constant 0 : i32
    %dma_wait3A_342 = arith.constant 0 : i32
    %dma_wait3A_343 = tpu.memref_slice %arg5[%dma_wait3A_341, %dma_wait3A_342] : memref<37x128xf32, #tpu.memory_space<vmem_shared>> -> memref<37x128xf32, #tpu.memory_space<vmem_shared>>
    tpu.wait_indirect_dma semaphore(%arg9 : memref<!tpu.dma_semaphore, #tpu.memory_space<semaphore_mem>>) src(%dma_wait3A_343 : memref<37x128xf32, #tpu.memory_space<vmem_shared>>) dst(%dma_wait3A_337 : memref<128x128xf32, #tpu.memory_space<vmem>>)
    %add3A_344 = arith.constant 25344 : i32
    %add3A_345 = arith.addi %mul3A_2, %add3A_344 : i32
    %dma_start3A_346 = arith.constant 0 : i32
    %dma_start3A_347 = arith.constant 0 : i32
    %dma_start3A_348 = arith.constant 0 : i32
    %dma_start3A_349 = tpu.memref_slice %arg7[%dma_start3A_346, %dma_start3A_347, %dma_start3A_348] : memref<6x128x128xf32, #tpu.memory_space<vmem>> -> memref<1x128x128xf32, #tpu.memory_space<vmem>>
    %dma_start3A_350 = tpu.memref_squeeze %dma_start3A_349 : memref<1x128x128xf32, #tpu.memory_space<vmem>> -> memref<128x128xf32, #tpu.memory_space<vmem>>
    %dma_start3A_351 = arith.constant 0 : i32
    %dma_start3A_352 = tpu.memref_slice %arg4[%add3A_345, %dma_start3A_351] : memref<819200x128xf32, #tpu.memory_space<hbm>> -> memref<128x128xf32, #tpu.memory_space<hbm>>
    %dma_start3A_353 = arith.constant 0 : i32
    %dma_start3A_354 = tpu.memref_slice %arg4[%add3A_345, %dma_start3A_353] : memref<819200x128xf32, #tpu.memory_space<hbm>> -> memref<128x128xf32, #tpu.memory_space<hbm>>
    %dma_start3A_355 = arith.constant 0 : i32
    %dma_start3A_356 = arith.constant 0 : i32
    %dma_start3A_357 = tpu.memref_slice %arg7[%dma_start3A_346, %dma_start3A_355, %dma_start3A_356] : memref<6x128x128xf32, #tpu.memory_space<vmem>> -> memref<1x128x128xf32, #tpu.memory_space<vmem>>
    %dma_start3A_358 = tpu.memref_squeeze %dma_start3A_357 : memref<1x128x128xf32, #tpu.memory_space<vmem>> -> memref<128x128xf32, #tpu.memory_space<vmem>>
    tpu.enqueue_dma source(%dma_start3A_358 : memref<128x128xf32, #tpu.memory_space<vmem>>) target(%dma_start3A_354 : memref<128x128xf32, #tpu.memory_space<hbm>>) target_semaphore(%arg10 : memref<!tpu.dma_semaphore, #tpu.memory_space<semaphore_mem>>)
    %dma_wait3A_359 = arith.constant 5 : i32
    %dma_wait3A_360 = arith.constant 0 : i32
    %dma_wait3A_361 = arith.constant 0 : i32
    %dma_wait3A_362 = tpu.memref_slice %arg7[%dma_wait3A_359, %dma_wait3A_360, %dma_wait3A_361] : memref<6x128x128xf32, #tpu.memory_space<vmem>> -> memref<1x128x128xf32, #tpu.memory_space<vmem>>
    %dma_wait3A_363 = tpu.memref_squeeze %dma_wait3A_362 : memref<1x128x128xf32, #tpu.memory_space<vmem>> -> memref<128x128xf32, #tpu.memory_space<vmem>>
    %dma_wait3A_364 = arith.constant 0 : i32
    %dma_wait3A_365 = tpu.memref_slice %arg4[%mul3A_2, %dma_wait3A_364] : memref<819200x128xf32, #tpu.memory_space<hbm>> -> memref<128x128xf32, #tpu.memory_space<hbm>>
    %dma_wait3A_366 = arith.constant 0 : i32
    %dma_wait3A_367 = tpu.memref_slice %arg4[%mul3A_2, %dma_wait3A_366] : memref<819200x128xf32, #tpu.memory_space<hbm>> -> memref<128x128xf32, #tpu.memory_space<hbm>>
    %dma_wait3A_368 = arith.constant 0 : i32
    %dma_wait3A_369 = arith.constant 0 : i32
    %dma_wait3A_370 = tpu.memref_slice %arg7[%dma_wait3A_359, %dma_wait3A_368, %dma_wait3A_369] : memref<6x128x128xf32, #tpu.memory_space<vmem>> -> memref<1x128x128xf32, #tpu.memory_space<vmem>>
    %dma_wait3A_371 = tpu.memref_squeeze %dma_wait3A_370 : memref<1x128x128xf32, #tpu.memory_space<vmem>> -> memref<128x128xf32, #tpu.memory_space<vmem>>
    tpu.wait_dma2 semaphore(%arg10 : memref<!tpu.dma_semaphore, #tpu.memory_space<semaphore_mem>>) src(%dma_wait3A_371 : memref<128x128xf32, #tpu.memory_space<vmem>>) dst(%dma_wait3A_367 : memref<128x128xf32, #tpu.memory_space<hbm>>)
    %dma_wait3A_372 = arith.constant 0 : i32
    %dma_wait3A_373 = arith.constant 1 : i32
    %dma_wait3A_374 = arith.constant 0 : i32
    %dma_wait3A_375 = arith.constant 0 : i32
    %dma_wait3A_376 = tpu.memref_slice %arg7[%dma_wait3A_373, %dma_wait3A_374, %dma_wait3A_375] : memref<6x128x128xf32, #tpu.memory_space<vmem>> -> memref<1x128x128xf32, #tpu.memory_space<vmem>>
    %dma_wait3A_377 = tpu.memref_squeeze %dma_wait3A_376 : memref<1x128x128xf32, #tpu.memory_space<vmem>> -> memref<128x128xf32, #tpu.memory_space<vmem>>
    %dma_wait3A_378 = arith.constant 0 : i32
    %dma_wait3A_379 = tpu.memref_slice %arg6[%dma_wait3A_372, %dma_wait3A_378] : memref<200x128xi32, #tpu.memory_space<vmem>> -> memref<1x128xi32, #tpu.memory_space<vmem>>
    %dma_wait3A_380 = tpu.memref_squeeze %dma_wait3A_379 : memref<1x128xi32, #tpu.memory_space<vmem>> -> memref<128xi32, #tpu.memory_space<vmem>>
    %dma_wait3A_381 = arith.constant 0 : i32
    %dma_wait3A_382 = arith.constant 0 : i32
    %dma_wait3A_383 = tpu.memref_slice %arg5[%dma_wait3A_381, %dma_wait3A_382] : memref<37x128xf32, #tpu.memory_space<vmem_shared>> -> memref<37x128xf32, #tpu.memory_space<vmem_shared>>
    tpu.wait_indirect_dma semaphore(%arg9 : memref<!tpu.dma_semaphore, #tpu.memory_space<semaphore_mem>>) src(%dma_wait3A_383 : memref<37x128xf32, #tpu.memory_space<vmem_shared>>) dst(%dma_wait3A_377 : memref<128x128xf32, #tpu.memory_space<vmem>>)
    %add3A_384 = arith.constant 25472 : i32
    %add3A_385 = arith.addi %mul3A_2, %add3A_384 : i32
    %dma_start3A_386 = arith.constant 1 : i32
    %dma_start3A_387 = arith.constant 0 : i32
    %dma_start3A_388 = arith.constant 0 : i32
    %dma_start3A_389 = tpu.memref_slice %arg7[%dma_start3A_386, %dma_start3A_387, %dma_start3A_388] : memref<6x128x128xf32, #tpu.memory_space<vmem>> -> memref<1x128x128xf32, #tpu.memory_space<vmem>>
    %dma_start3A_390 = tpu.memref_squeeze %dma_start3A_389 : memref<1x128x128xf32, #tpu.memory_space<vmem>> -> memref<128x128xf32, #tpu.memory_space<vmem>>
    %dma_start3A_391 = arith.constant 0 : i32
    %dma_start3A_392 = tpu.memref_slice %arg4[%add3A_385, %dma_start3A_391] : memref<819200x128xf32, #tpu.memory_space<hbm>> -> memref<128x128xf32, #tpu.memory_space<hbm>>
    %dma_start3A_393 = arith.constant 0 : i32
    %dma_start3A_394 = tpu.memref_slice %arg4[%add3A_385, %dma_start3A_393] : memref<819200x128xf32, #tpu.memory_space<hbm>> -> memref<128x128xf32, #tpu.memory_space<hbm>>
    %dma_start3A_395 = arith.constant 0 : i32
    %dma_start3A_396 = arith.constant 0 : i32
    %dma_start3A_397 = tpu.memref_slice %arg7[%dma_start3A_386, %dma_start3A_395, %dma_start3A_396] : memref<6x128x128xf32, #tpu.memory_space<vmem>> -> memref<1x128x128xf32, #tpu.memory_space<vmem>>
    %dma_start3A_398 = tpu.memref_squeeze %dma_start3A_397 : memref<1x128x128xf32, #tpu.memory_space<vmem>> -> memref<128x128xf32, #tpu.memory_space<vmem>>
    tpu.enqueue_dma source(%dma_start3A_398 : memref<128x128xf32, #tpu.memory_space<vmem>>) target(%dma_start3A_394 : memref<128x128xf32, #tpu.memory_space<hbm>>) target_semaphore(%arg10 : memref<!tpu.dma_semaphore, #tpu.memory_space<semaphore_mem>>)
    %dma_wait3A_399 = arith.constant 0 : i32
    %dma_wait3A_400 = arith.constant 0 : i32
    %dma_wait3A_401 = arith.constant 0 : i32
    %dma_wait3A_402 = tpu.memref_slice %arg7[%dma_wait3A_399, %dma_wait3A_400, %dma_wait3A_401] : memref<6x128x128xf32, #tpu.memory_space<vmem>> -> memref<1x128x128xf32, #tpu.memory_space<vmem>>
    %dma_wait3A_403 = tpu.memref_squeeze %dma_wait3A_402 : memref<1x128x128xf32, #tpu.memory_space<vmem>> -> memref<128x128xf32, #tpu.memory_space<vmem>>
    %dma_wait3A_404 = arith.constant 0 : i32
    %dma_wait3A_405 = tpu.memref_slice %arg4[%mul3A_2, %dma_wait3A_404] : memref<819200x128xf32, #tpu.memory_space<hbm>> -> memref<128x128xf32, #tpu.memory_space<hbm>>
    %dma_wait3A_406 = arith.constant 0 : i32
    %dma_wait3A_407 = tpu.memref_slice %arg4[%mul3A_2, %dma_wait3A_406] : memref<819200x128xf32, #tpu.memory_space<hbm>> -> memref<128x128xf32, #tpu.memory_space<hbm>>
    %dma_wait3A_408 = arith.constant 0 : i32
    %dma_wait3A_409 = arith.constant 0 : i32
    %dma_wait3A_410 = tpu.memref_slice %arg7[%dma_wait3A_399, %dma_wait3A_408, %dma_wait3A_409] : memref<6x128x128xf32, #tpu.memory_space<vmem>> -> memref<1x128x128xf32, #tpu.memory_space<vmem>>
    %dma_wait3A_411 = tpu.memref_squeeze %dma_wait3A_410 : memref<1x128x128xf32, #tpu.memory_space<vmem>> -> memref<128x128xf32, #tpu.memory_space<vmem>>
    tpu.wait_dma2 semaphore(%arg10 : memref<!tpu.dma_semaphore, #tpu.memory_space<semaphore_mem>>) src(%dma_wait3A_411 : memref<128x128xf32, #tpu.memory_space<vmem>>) dst(%dma_wait3A_407 : memref<128x128xf32, #tpu.memory_space<hbm>>)
    %dma_wait3A_412 = arith.constant 1 : i32
    %dma_wait3A_413 = arith.constant 0 : i32
    %dma_wait3A_414 = arith.constant 0 : i32
    %dma_wait3A_415 = tpu.memref_slice %arg7[%dma_wait3A_412, %dma_wait3A_413, %dma_wait3A_414] : memref<6x128x128xf32, #tpu.memory_space<vmem>> -> memref<1x128x128xf32, #tpu.memory_space<vmem>>
    %dma_wait3A_416 = tpu.memref_squeeze %dma_wait3A_415 : memref<1x128x128xf32, #tpu.memory_space<vmem>> -> memref<128x128xf32, #tpu.memory_space<vmem>>
    %dma_wait3A_417 = arith.constant 0 : i32
    %dma_wait3A_418 = tpu.memref_slice %arg4[%mul3A_2, %dma_wait3A_417] : memref<819200x128xf32, #tpu.memory_space<hbm>> -> memref<128x128xf32, #tpu.memory_space<hbm>>
    %dma_wait3A_419 = arith.constant 0 : i32
    %dma_wait3A_420 = tpu.memref_slice %arg4[%mul3A_2, %dma_wait3A_419] : memref<819200x128xf32, #tpu.memory_space<hbm>> -> memref<128x128xf32, #tpu.memory_space<hbm>>
    %dma_wait3A_421 = arith.constant 0 : i32
    %dma_wait3A_422 = arith.constant 0 : i32
    %dma_wait3A_423 = tpu.memref_slice %arg7[%dma_wait3A_412, %dma_wait3A_421, %dma_wait3A_422] : memref<6x128x128xf32, #tpu.memory_space<vmem>> -> memref<1x128x128xf32, #tpu.memory_space<vmem>>
    %dma_wait3A_424 = tpu.memref_squeeze %dma_wait3A_423 : memref<1x128x128xf32, #tpu.memory_space<vmem>> -> memref<128x128xf32, #tpu.memory_space<vmem>>
    tpu.wait_dma2 semaphore(%arg10 : memref<!tpu.dma_semaphore, #tpu.memory_space<semaphore_mem>>) src(%dma_wait3A_424 : memref<128x128xf32, #tpu.memory_space<vmem>>) dst(%dma_wait3A_420 : memref<128x128xf32, #tpu.memory_space<hbm>>)
    return
  }
}

</mosaic_0001>

<sc_bundles>
// kernel: kernel.3.cloned.1.call-start
scs
__scs_entry_jumppad:
0x0: {  	(pc) =	sbr.rel $0x88, $3  }
0x1: {  	(tag) =	ssettag $0x0;
	lr =	simm.s32 $0x1  }
0x2: {  	[smem:$0x3F9F] =	sst lr;
	_ =	strace $0xD0000000  }
0x3: {  	_ = 	snop  }
0x4: {  	_ = 	snop  }
0x5: {  	_ = 	snop  }
0x6: {  	_ = 	snop  }
0x7: {  	_ = 	snop  }
__scs_overlays_trampoline_lowered:
0x8: {  	[smem:$0x3FAE] =	sst s0  }
0x9: {  	[smem:$0x3FAF] =	sst s1  }
0xa: {  	[smem:$0x3FB0] =	sst s2  }
0xb: {  	[smem:$0x3FB1] =	sst s3  }
0xc: {  	[smem:$0x3FB2] =	sst s4  }
0xd: {  	[smem:$0x3FB3] =	sst s5  }
0xe: {  	[smem:$0x3FB4] =	sst s6  }
0xf: {  	[smem:$0x3FB5] =	sst s7  }
0x10: {  	[smem:$0x3FB6] =	sst s8  }
0x11: {  	[smem:$0x3FB7] =	sst s9;
	s0 =	simm.s32 @!p0 $0x0  }
0x12: {  	s1 =	sld [smem:$0x3F9D];
	s0 =	simm.s32 @p0 $0x1  }
0x13: {  	[smem:$0x3FB8] =	sst s0;
	s0 =	simm.s32 @!p1 $0x0  }
0x14: {  	s2 =	sld [smem:$0x3F9C];
	s0 =	simm.s32 @p1 $0x1  }
0x15: {  	[smem:$0x3FB9] =	sst s0;
	s0 =	simm.s32 @!p2 $0x0  }
0x16: {  	s3 =	sld [smem:$0x3FDB];
	s0 =	simm.s32 @p2 $0x1  }
0x17: {  	s4 =	simm.s32 $0x1BF5;
	[smem:$0x3FBB] =	sst s0  }
0x18: {  	s0 =	sld [smem:$0x3F9E];
	_ =	swait.ge [sflag:s4], $0x0  }
0x19: {  	s7 =	sld [smem:$0x3F9F]  }
0x1a: {  	s8 =	sadd.s32 $0xFFFFE003, lr  }
0x1b: {  	s9 =	sadd.s32 $0xFFFFFEF7, lr;
	s5 =	simm.s32 $0xFFFFFFFF;
	p2 =	slt.u32 s8, $0xFFFFF086  }
0x1c: {  	p1 =	slt.u32 s9, $0xF7A;
	s5 =	simm.s32 @!p2 $0x0  }
0x1d: {  	s5 =	simm.s32 @p1 $0x1;
	p0 =	seq.s32 s7, s2  }
0x1e: {  	s7 =	smul.u32 @!p0 $0xF7A, s2;
	p2 =	seq.s32 @!p0 s5, $0x0  }
0x1f: {  	s9 =	smul.u32 $0xF7A, s1;
	s8 =	simm.s32 @!p0 $0x1BF5;
	p2 =	por !p2, p0  }
0x20: {  	[sflag:s8] =	ssyncset.s32 @!p0 $0xFFFFF086;
	s6 =	sadd.s32 @!p0 s3, s7;
	s7 =	simm.s32 @!p0 $0x108  }
0x21: {  	s3 =	sadd.s32 s3, s9;
	s6 =	sadd.s32 @!p0 $0x88, s6;
	s7 =	simm.s32 @p2 $0x1082  }
0x22: {  	[simem:s7], [sflag:s8] =	dma.local @!p0 [hbm:s6], $0xF7A  }
0x23: {  	s9 =	sor.u32 $0xD0000000, s2;
	s6 =	simm.s32 $0x108;
	_ =	swait.ge @!p0 [sflag:s8], $0x0  }
0x24: {  	s3 =	sadd.s32 $0x88, s3;
	s6 =	simm.s32 @!p1 $0x1082;
	[sflag:s4] =	ssyncset.s32 $0xFFFFF086  }
0x25: {  	[simem:s6], [sflag:s4] =	dma.local [hbm:s3], $0xF7A  }
0x26: {  	[smem:$0x3F9F] =	sst s1;
	(tag) =	ssettag s2;
	_ =	strace s9  }
0x27: {  	s1 =	sld [smem:$0x3FAF]  }
0x28: {  	s2 =	sld [smem:$0x3FB0]  }
0x29: {  	s4 =	sld [smem:$0x3FB2]  }
0x2a: {  	p0 =	seq.s32 s5, $0x0;
	s5 =	sld [smem:$0x3FB3]  }
0x2b: {  	s6 =	sld [smem:$0x3FB4]  }
0x2c: {  	s7 =	sld [smem:$0x3FB5]  }
0x2d: {  	s3 =	simm.s32 $0x108;
	s8 =	sld [smem:$0x3FB6]  }
0x2e: {  	s3 =	simm.s32 @!p0 $0x1082;
	s9 =	sld [smem:$0x3FB7]  }
0x2f: {  	lr =	sadd.s32 s0, s3;
	s0 =	sld [smem:$0x3FAE]  }
0x30: {  	s3 =	sld [smem:$0x3FB1]  }
0x31: {  	[smem:$0x3FBA] =	sst s10  }
0x32: {  	s10 =	sld [smem:$0x3FB8];
	_ =	sdelay $0x3  }
0x33: {  	p0 =	seq.s32 s10, $0x1;
	s10 =	sld [smem:$0x3FBA];
	_ =	sdelay $0x3  }
0x34: {  	[smem:$0x3FBA] =	sst s10  }
0x35: {  	s10 =	sld [smem:$0x3FB9];
	_ =	sdelay $0x3  }
0x36: {  	p1 =	seq.s32 s10, $0x1;
	s10 =	sld [smem:$0x3FBA];
	_ =	sdelay $0x3  }
0x37: {  	[smem:$0x3FBA] =	sst s10  }
0x38: {  	s10 =	sld [smem:$0x3FBB]  }
0x39: {  	_ = 	snop;
	(pc) =	sbr.ind lr, $3  }
0x3a: {  	_ = 	snop  }
0x3b: {  	_ = 	snop  }
0x3c: {  	p2 =	seq.s32 s10, $0x1;
	s10 =	sld [smem:$0x3FBA]  }
0x3d: {  	_ =	shalt  }
0x3e: {  	_ =	shalt  }
0x3f: {  	_ =	shalt  }
0x40: {  	_ =	shalt  }
0x41: {  	_ =	shalt  }
0x42: {  	_ =	shalt  }
0x43: {  	_ =	shalt  }
0x44: {  	_ =	shalt  }
0x45: {  	_ =	shalt  }
0x46: {  	_ =	shalt  }
0x47: {  	_ =	shalt  }
0x48: {  	_ =	shalt  }
0x49: {  	_ =	shalt  }
0x4a: {  	_ =	shalt  }
0x4b: {  	_ =	shalt  }
0x4c: {  	_ =	shalt  }
0x4d: {  	_ =	shalt  }
0x4e: {  	_ =	shalt  }
0x4f: {  	_ =	shalt  }
0x50: {  	_ =	shalt  }
0x51: {  	_ =	shalt  }
0x52: {  	_ =	shalt  }
0x53: {  	_ =	shalt  }
0x54: {  	_ =	shalt  }
0x55: {  	_ =	shalt  }
0x56: {  	_ =	shalt  }
0x57: {  	_ =	shalt  }
0x58: {  	_ =	shalt  }
0x59: {  	_ =	shalt  }
0x5a: {  	_ =	shalt  }
0x5b: {  	_ =	shalt  }
0x5c: {  	_ =	shalt  }
0x5d: {  	_ =	shalt  }
0x5e: {  	_ =	shalt  }
0x5f: {  	_ =	shalt  }
0x60: {  	_ =	shalt  }
0x61: {  	_ =	shalt  }
0x62: {  	_ =	shalt  }
0x63: {  	_ =	shalt  }
0x64: {  	_ =	shalt  }
0x65: {  	_ =	shalt  }
0x66: {  	_ =	shalt  }
0x67: {  	_ =	shalt  }
0x68: {  	_ =	shalt  }
0x69: {  	_ =	shalt  }
0x6a: {  	_ =	shalt  }
0x6b: {  	_ =	shalt  }
0x6c: {  	_ =	shalt  }
0x6d: {  	_ =	shalt  }
0x6e: {  	_ =	shalt  }
0x6f: {  	_ =	shalt  }
0x70: {  	_ =	shalt  }
0x71: {  	_ =	shalt  }
0x72: {  	_ =	shalt  }
0x73: {  	_ =	shalt  }
0x74: {  	_ =	shalt  }
0x75: {  	_ =	shalt  }
0x76: {  	_ =	shalt  }
0x77: {  	_ =	shalt  }
0x78: {  	_ =	shalt  }
0x79: {  	_ =	shalt  }
0x7a: {  	_ =	shalt  }
0x7b: {  	_ =	shalt  }
0x7c: {  	_ =	shalt  }
0x7d: {  	_ =	shalt  }
0x7e: {  	_ =	shalt  }
0x7f: {  	_ =	shalt  }
0x80: {  	_ =	shalt  }
0x81: {  	_ =	shalt  }
0x82: {  	_ =	shalt  }
0x83: {  	_ =	shalt  }
0x84: {  	_ =	shalt  }
0x85: {  	_ =	shalt  }
0x86: {  	_ =	shalt  }
0x87: {  	_ =	shalt  }
.Lfunc_end0:
.L_simem_size_0:
called_computation_lowered:
.L_overlay_start_0:
0x88: {  	s2 =	sld [smem:$0x3FD9]  }
0x89: {  	s3 =	sld [smem:$0x3FFE];
	_ =	sdelay $0x1  }
0x8a: {  	s1 =	srdreg.scid  }
0x8b: {  	s0 =	sand.u32 $0x1, s1  }
0x8c: {  	s17 =	sshll.u32 s0, $0xA;
	s2 =	sadd.s32 s3, s2  }
0x8d: {  	s2 =	sadd.s32 s2, s17  }
0x8e: {  	[smem:$0x3FC6] =	sst s2  }
0x8f: {  	_ = 	snop  }
0x90: {  	s2 =	sld [smem:$0x3FC8]  }
0x91: {  	s18 =	sld [smem:$0x3FD0];
	(tm) =	ssettm $0x1  }
0x92: {  	s4 =	sld [smem:$0x3FFB];
	_ =	sdelay $0x3  }
0x93: {  	_ =	strace s4  }
0x94: {  	s4 =	sld [smem:$0x3FFC];
	_ =	sdelay $0x3  }
0x95: {  	_ =	strace s4  }
0x96: {  	s4 =	sld [smem:$0x3FFD];
	_ =	sdelay $0x3  }
0x97: {  	_ =	strace s4  }
0x98: {  	_ =	strace $0x8FFFFFFF  }
0x99: {  	s19 =	sld [smem:$0x3FDB];
	_ =	sdelay $0x1  }
0x9a: {  	s5 =	simm.s32 $_scs_section_size  }
0x9b: {  	s6 =	simm.s32 $_size__tile_overlayer_lowered;
	s7 =	simm.s32 $_tile_overlayer_lowered  }
0x9c: {  	s22 =	simm.s32 $0x1BFF;
	s21 =	sshll.u32 s7, $0x1;
	s4 =	sadd.s32 s5, s19  }
0x9d: {  	s8 =	simm.s32 $0x0;
	s20 =	sshll.u32 s6, $0x1;
	s6 =	sadd.s32 s21, s4  }
0x9e: {  	[timem:s8], [sflag:s22] =	dma.local [hbm:s6], s20  }
0x9f: {  	_ =	swait.ge [sflag:s22], s20  }
0xa0: {  	s5 =	ssub.s32 $0x0, s20;
	[sflag:s22] =	ssyncset.done $0x0  }
0xa1: {  	[sflag:s22] =	ssyncadd.s32 s5;
	_ =	sdelay $0x1  }
0xa2: {  	s23 =	simm.s32 $0x1B8B  }
0xa3: {  	_ =	swait.ge [sflag:s23], $0x1  }
0xa4: {  	[sflag:s23] =	ssyncset.done $0x0  }
0xa5: {  	s25 =	simm.s32 $0x1B8E;
	s24 =	sld [smem:$0x3FFE];
	[sflag:s23] =	ssyncadd.s32 $0xFFFFFFFF  }
0xa6: {  	s26 =	simm.s32 $execute0_lowered;
	[smem:$0x3FD2] =	sst s25  }
0xa7: {  	s6 =	sshll.u32 s26, $0x1;
	_ =	strace $0x80000046;
	[dreg:$0x1] =	wrdreg $0xFFFFFFFF  }
0xa8: {  	s28 =	simm.s32 $_size_execute0_lowered;
	s4 =	sadd.s32 s4, s6;
	[dreg:$0x0] =	wrdreg $0x0  }
0xa9: {  	s6 =	sshll.u32 s28, $0x1;
	[dreg:$0x2] =	wrdreg s4  }
0xaa: {  	[dreg:$0x3] =	wrdreg s6  }
0xab: {  	[dreg:$0x4] =	wrdreg $0xC0  }
0xac: {  	_ =	task [dreg:s8], $0x5FFFF  }
0xad: {  	[dreg:$0x1] =	wrdreg $0xFFFFFFFF  }
0xae: {  	[dreg:$0x0] =	wrdreg $0x60  }
0xaf: {  	[dreg:$0x2] =	wrdreg s24  }
0xb0: {  	[dreg:$0x3] =	wrdreg s2  }
0xb1: {  	[dreg:$0x4] =	wrdreg s18  }
0xb2: {  	[dreg:$0x5] =	wrdreg $0x0  }
0xb3: {  	[dreg:$0x6] =	wrdreg $0x9  }
0xb4: {  	_ =	task.clear_ibuf [dreg:s8], $0x7FFFF;
	_ =	strace $0x90000046  }
0xb5: {  	s29 =	simm.s32 $0x9;
	_ =	strace $0x80000048  }
0xb6: {  	_ =	swait.ge [sflag:s29], $0x1  }
0xb7: {  	[sflag:s29] =	ssyncadd.s32 $0xFFFFFFFF  }
0xb8: {  	_ =	strace $0x90000048  }
0xb9: {  	_ =	sfence  }
0xba: {  	s30 =	sld [smem:$0x0];
	_ =	sdelay $0x2  }
0xbb: {  	s31 =	sshll.u32 s1, $0xD;
	s1 =	sshrl.u32 s1, $0x2  }
0xbc: {  	s3 =	sand.u32 $0x4000, s31;
	s1 =	sadd.s32 s1, s30  }
0xbd: {  	s0 =	sor.u32 s3, s0;
	s1 =	sshll.u32 s1, $0x11  }
0xbe: {  	s0 =	sor.u32 s1, s0  }
0xbf: {  	s0 =	sadd.s32 $0x8F2B, s0  }
0xc0: {  	[sflag:s0] =	ssyncadd.remote.s32 $0x1  }
0xc1: {  	_ =	sfence.sel $0xFFFF  }
0xc2: {  	[dreg:$0x0] =	wrdreg $0xFFFFFFFF;
	(pc) =	sbr.abs _section_cstart, $3  }
0xc3: {  	[dreg:$0x1] =	wrdreg $0xFFFFFFFF  }
0xc4: {  	_ =	task.clear_ibuf [dreg:s8], $0x2FFFF;
	_ =	strace $0x9FFFFFFF  }
0xc5: {  	(tm) =	ssettm $0x7FFFFFFF  }
tec
execute0_lowered:
.L_overlay_start_1:
0x0: {  	(tag) =	ssettag $0x1  }
0x1: {  	s0 =	rddreg [dreg:$0x0]  }
0x2: {  	s1 =	rddreg [dreg:$0x2];
	s3 =	srdreg.scid  }
0x3: {  	s14 =	stileid.u32;
	s2 =	rddreg [dreg:$0x3]  }
0x4: {  	s17 =	simm.s32 $0x3;
	s18 =	simm.s32 $0x80;
	s19 =	simm.s32 $0x6528  }
0x5: {  	s21 =	simm.s32 $0xA528;
	s23 =	simm.s32 $0xE528;
	s29 =	simm.s32 $0x16528  }
0x6: {  	s31 =	simm.s32 $0x1A528;
	s20 =	simm.s32 $0x4A8;
	s22 =	simm.s32 $0x0  }
0x7: {  	s11 =	sand.u32 $0x1, s3;
	s4 =	sshll.u32 s14, $0x1;
	s15 =	smul.u32 $0xC8000, s14  }
0x8: {  	s3 =	simm.s32 $0x0;
	s4 =	sor.u32 s11, s4;
	s16 =	smul.u32 $0x64000, s11  }
0x9: {  	p0 =	sne.s32 s14, $0x0;
	[smem:$0x7FF] =	sst s3;
	s5 =	smul.u32 $0xC80, s4  }
0xa: {  	s6 =	ssub.s32 $0x2, s11;
	_ =	strace $0x80000047;
	s7 =	smul.u32 $0x64000, s4  }
0xb: {  	s25 =	sshrl.u32 s6, $0x1;
	s8 =	smul.u32 $0x320000, s4;
	s30 =	sadd.s32 s15, s1  }
0xc: {  	s15 =	sshrl.u32 @!p0 s2, $0x3;
	s13 =	ssub.s32 s6, s25;
	s25 =	simm.s32 $0x12528  }
0xd: {  	s0 =	sadd.s32 s5, s0;
	s5 =	sadd.s32 s1, s7;
	s26 =	sshrl.u32 s8, $0x3  }
0xe: {  	s13 =	smax.u32 s13, $0x1;
	s4 =	sadd.s32 $0x400, s0;
	s6 =	sadd.s32 $0x800, s5  }
0xf: {  	s7 =	sadd.s32 $0x1000, s5;
	s8 =	sadd.s32 $0x1800, s5;
	s0 =	sadd.s32 s1, s26  }
0x10: {  	s26 =	simm.s32 $0x1;
	s9 =	sadd.s32 $0x62000, s0;
	s10 =	sadd.s32 $0x62800, s0  }
0x11: {  	s11 =	sadd.s32 $0x63000, s0;
	s12 =	sadd.s32 $0x63800, s0;
	s0 =	sadd.s32 s16, s30  }
0x12: {  	s1 =	simm.s32 $0x2;
	s16 =	simm.s32 $0x128;
	s28 =	sadd.s32 $0x2800, s0  }
.LBB2_1:
0x13: {  	s14 =	simm.s32 @!p0 $0x1C03;
	s0 =	rddreg [dreg:$0x1]  }
0x14: {  	[spmem:s15], [sflag:s14] =	dma.local @!p0 [hbm:s0], $0x250  }
0x15: {  	s14 =	simm.s32 @!p0 $0x3  }
0x16: {  	_ =	swait.ge @!p0 [sflag:s14], $0x250  }
0x17: {  	[sflag:s14] =	ssyncset.done @!p0 $0x0  }
0x18: {  	v0 =	vimm.f32 @!p0 $0.0e+00;
	[sflag:s14] =	ssyncadd.s32 @!p0 $0xFFFFFDB0  }
0x19: {  	[tilespmem:$0x1E528] =	vst @!p0 v0  }
0x1a: {  	[tilespmem:$0x1E538] =	vst @!p0 v0  }
0x1b: {  	[tilespmem:$0x1E548] =	vst @!p0 v0  }
0x1c: {  	[tilespmem:$0x1E558] =	vst @!p0 v0  }
0x1d: {  	[tilespmem:$0x1E568] =	vst @!p0 v0  }
0x1e: {  	[tilespmem:$0x1E578] =	vst @!p0 v0  }
0x1f: {  	[tilespmem:$0x1E588] =	vst @!p0 v0  }
0x20: {  	s24 =	simm.s32 @!p0 $0x1E528;
	[tilespmem:$0x1E598] =	vst @!p0 v0  }
0x21: {  	[spmem:s2] =	stream.linear.scatter @!p0 [tilespmem:s24], [sflag:$0x3], $0x80, $0x38;
	[tilespmem:$0x1E5A8] =	vst v63  }
0x22: {  	_ =	swait.ge @!p0 [sflag:s14], $0x80  }
0x23: {  	[sflag:s14] =	ssyncset.done @!p0 $0x0  }
0x24: {  	[sflag:s14] =	ssyncadd.s32 @!p0 $0xFFFFFF80  }
0x25: {  	[tilespmem:s16], [sflag:$0x3] =	stream.linear.gather [hbm4b:s4+s3], $0x6400, $0x38;
	[tilespmem:$0x1E5A8] =	vst v63  }
0x26: {  	_ =	swait.ge [sflag:s17], $0x6400  }
0x27: {  	[sflag:s17] =	ssyncset.done $0x0  }
0x28: {  	[sflag:s17] =	ssyncadd.s32 $0xFFFF9C00  }
0x29: {  	[bflag:$0x0] =	sbarrier.arrive $0xFFFF  }
0x2a: {  	[tilespmem:s19], [sflag:$0x1] =	stream.indirect.gather [spmem:s2], $0x80, s16, s18, $0xb8;
	[tilespmem:$0x1E5A8] =	vst v63  }
0x2b: {  	s24 =	simm.s32 $0x1A8  }
0x2c: {  	[tilespmem:s21], [sflag:$0x1] =	stream.indirect.gather [spmem:s2], $0x80, s24, s18, $0xb8;
	[tilespmem:$0x1E5A8] =	vst v63  }
0x2d: {  	s30 =	simm.s32 $0x228  }
0x2e: {  	[tilespmem:s23], [sflag:$0x1] =	stream.indirect.gather [spmem:s2], $0x80, s30, s18, $0xb8;
	[tilespmem:$0x1E5A8] =	vst v63  }
0x2f: {  	s14 =	simm.s32 $0x2A8  }
0x30: {  	[tilespmem:s25], [sflag:$0x1] =	stream.indirect.gather [spmem:s2], $0x80, s14, s18, $0xb8;
	[tilespmem:$0x1E5A8] =	vst v63  }
0x31: {  	_ =	swait.ge [sflag:s26], $0x4000  }
0x32: {  	[sflag:s26] =	ssyncset.done $0x0  }
0x33: {  	[sflag:s26] =	ssyncadd.s32 $0xFFFFC000  }
0x34: {  	[hbm4b:s5+s3] =	stream.linear.scatter [tilespmem:s19], [sflag:$0x2], $0x4000, $0x38;
	[tilespmem:$0x1E5A8] =	vst v63  }
0x35: {  	s24 =	simm.s32 $0x328  }
0x36: {  	[tilespmem:s29], [sflag:$0x1] =	stream.indirect.gather [spmem:s2], $0x80, s24, s18, $0xb8;
	[tilespmem:$0x1E5A8] =	vst v63  }
0x37: {  	_ =	swait.ge [sflag:s26], $0x4000  }
0x38: {  	[sflag:s26] =	ssyncset.done $0x0  }
0x39: {  	[sflag:s26] =	ssyncadd.s32 $0xFFFFC000  }
0x3a: {  	[hbm4b:s6+s3] =	stream.linear.scatter [tilespmem:s21], [sflag:$0x2], $0x4000, $0x38;
	[tilespmem:$0x1E5A8] =	vst v63  }
0x3b: {  	s30 =	simm.s32 $0x3A8  }
0x3c: {  	[tilespmem:s31], [sflag:$0x1] =	stream.indirect.gather [spmem:s2], $0x80, s30, s18, $0xb8;
	[tilespmem:$0x1E5A8] =	vst v63  }
0x3d: {  	_ =	swait.ge [sflag:s1], $0x4000  }
0x3e: {  	[sflag:s1] =	ssyncset.done $0x0  }
0x3f: {  	[sflag:s1] =	ssyncadd.s32 $0xFFFFC000  }
0x40: {  	_ =	swait.ge [sflag:s26], $0x4000  }
0x41: {  	[sflag:s26] =	ssyncset.done $0x0  }
0x42: {  	[sflag:s26] =	ssyncadd.s32 $0xFFFFC000  }
0x43: {  	[hbm4b:s7+s3] =	stream.linear.scatter [tilespmem:s23], [sflag:$0x2], $0x4000, $0x38;
	[tilespmem:$0x1E5A8] =	vst v63  }
0x44: {  	s14 =	simm.s32 $0x428  }
0x45: {  	[tilespmem:s19], [sflag:$0x1] =	stream.indirect.gather [spmem:s2], $0x80, s14, s18, $0xb8;
	[tilespmem:$0x1E5A8] =	vst v63  }
0x46: {  	_ =	swait.ge [sflag:s1], $0x4000  }
0x47: {  	[sflag:s1] =	ssyncset.done $0x0  }
0x48: {  	[sflag:s1] =	ssyncadd.s32 $0xFFFFC000  }
0x49: {  	_ =	swait.ge [sflag:s26], $0x4000  }
0x4a: {  	[sflag:s26] =	ssyncset.done $0x0  }
0x4b: {  	[sflag:s26] =	ssyncadd.s32 $0xFFFFC000  }
0x4c: {  	[hbm4b:s8+s3] =	stream.linear.scatter [tilespmem:s25], [sflag:$0x2], $0x4000, $0x38;
	[tilespmem:$0x1E5A8] =	vst v63  }
0x4d: {  	_ = 	snop  }
0x4e: {  	[tilespmem:s21], [sflag:$0x1] =	stream.indirect.gather [spmem:s2], $0x80, s20, s18, $0xb8;
	[tilespmem:$0x1E5A8] =	vst v63  }
0x4f: {  	_ =	swait.ge [sflag:s1], $0x4000  }
0x50: {  	[sflag:s1] =	ssyncset.done $0x0  }
0x51: {  	[sflag:s1] =	ssyncadd.s32 $0xFFFFC000  }
0x52: {  	_ =	swait.ge [sflag:s26], $0x4000  }
0x53: {  	[sflag:s26] =	ssyncset.done $0x0  }
0x54: {  	s24 =	sadd.s32 $0xFFFFF800, s28;
	[sflag:s26] =	ssyncadd.s32 $0xFFFFC000  }
0x55: {  	[hbm4b:s24+s3] =	stream.linear.scatter [tilespmem:s29], [sflag:$0x2], $0x4000, $0x38;
	[tilespmem:$0x1E5A8] =	vst v63  }
0x56: {  	s30 =	simm.s32 $0x528  }
0x57: {  	[tilespmem:s23], [sflag:$0x1] =	stream.indirect.gather [spmem:s2], $0x80, s30, s18, $0xb8;
	[tilespmem:$0x1E5A8] =	vst v63  }
0x58: {  	_ =	swait.ge [sflag:s1], $0x4000  }
0x59: {  	[sflag:s1] =	ssyncset.done $0x0  }
0x5a: {  	[sflag:s1] =	ssyncadd.s32 $0xFFFFC000  }
0x5b: {  	_ =	swait.ge [sflag:s26], $0x4000  }
0x5c: {  	[sflag:s26] =	ssyncset.done $0x0  }
0x5d: {  	[sflag:s26] =	ssyncadd.s32 $0xFFFFC000  }
0x5e: {  	[hbm4b:s28+s3] =	stream.linear.scatter [tilespmem:s31], [sflag:$0x2], $0x4000, $0x38;
	[tilespmem:$0x1E5A8] =	vst v63  }
0x5f: {  	s0 =	simm.s32 $0x5A8  }
0x60: {  	[tilespmem:s25], [sflag:$0x1] =	stream.indirect.gather [spmem:s2], $0x80, s0, s18, $0xb8;
	[tilespmem:$0x1E5A8] =	vst v63  }
0x61: {  	_ =	swait.ge [sflag:s1], $0x4000  }
0x62: {  	[sflag:s1] =	ssyncset.done $0x0  }
0x63: {  	[sflag:s1] =	ssyncadd.s32 $0xFFFFC000  }
0x64: {  	_ =	swait.ge [sflag:s26], $0x4000  }
0x65: {  	[sflag:s26] =	ssyncset.done $0x0  }
0x66: {  	s24 =	sadd.s32 $0x800, s28;
	[sflag:s26] =	ssyncadd.s32 $0xFFFFC000  }
0x67: {  	[hbm4b:s24+s3] =	stream.linear.scatter [tilespmem:s19], [sflag:$0x2], $0x4000, $0x38;
	[tilespmem:$0x1E5A8] =	vst v63  }
0x68: {  	s30 =	simm.s32 $0x628  }
0x69: {  	[tilespmem:s29], [sflag:$0x1] =	stream.indirect.gather [spmem:s2], $0x80, s30, s18, $0xb8;
	[tilespmem:$0x1E5A8] =	vst v63  }
0x6a: {  	_ =	swait.ge [sflag:s1], $0x4000  }
0x6b: {  	[sflag:s1] =	ssyncset.done $0x0  }
0x6c: {  	[sflag:s1] =	ssyncadd.s32 $0xFFFFC000  }
0x6d: {  	_ =	swait.ge [sflag:s26], $0x4000  }
0x6e: {  	[sflag:s26] =	ssyncset.done $0x0  }
0x6f: {  	s0 =	sadd.s32 $0x1000, s28;
	[sflag:s26] =	ssyncadd.s32 $0xFFFFC000  }
0x70: {  	[hbm4b:s0+s3] =	stream.linear.scatter [tilespmem:s21], [sflag:$0x2], $0x4000, $0x38;
	[tilespmem:$0x1E5A8] =	vst v63  }
0x71: {  	s24 =	simm.s32 $0x6A8  }
0x72: {  	[tilespmem:s31], [sflag:$0x1] =	stream.indirect.gather [spmem:s2], $0x80, s24, s18, $0xb8;
	[tilespmem:$0x1E5A8] =	vst v63  }
0x73: {  	_ =	swait.ge [sflag:s1], $0x4000  }
0x74: {  	[sflag:s1] =	ssyncset.done $0x0  }
0x75: {  	[sflag:s1] =	ssyncadd.s32 $0xFFFFC000  }
0x76: {  	_ =	swait.ge [sflag:s26], $0x4000  }
0x77: {  	[sflag:s26] =	ssyncset.done $0x0  }
0x78: {  	s30 =	sadd.s32 $0x1800, s28;
	[sflag:s26] =	ssyncadd.s32 $0xFFFFC000  }
0x79: {  	[hbm4b:s30+s3] =	stream.linear.scatter [tilespmem:s23], [sflag:$0x2], $0x4000, $0x38;
	[tilespmem:$0x1E5A8] =	vst v63  }
0x7a: {  	s0 =	simm.s32 $0x728  }
0x7b: {  	[tilespmem:s19], [sflag:$0x1] =	stream.indirect.gather [spmem:s2], $0x80, s0, s18, $0xb8;
	[tilespmem:$0x1E5A8] =	vst v63  }
0x7c: {  	_ =	swait.ge [sflag:s1], $0x4000  }
0x7d: {  	[sflag:s1] =	ssyncset.done $0x0  }
0x7e: {  	[sflag:s1] =	ssyncadd.s32 $0xFFFFC000  }
0x7f: {  	_ =	swait.ge [sflag:s26], $0x4000  }
0x80: {  	[sflag:s26] =	ssyncset.done $0x0  }
0x81: {  	s24 =	sadd.s32 $0x2000, s28;
	[sflag:s26] =	ssyncadd.s32 $0xFFFFC000  }
0x82: {  	[hbm4b:s24+s3] =	stream.linear.scatter [tilespmem:s25], [sflag:$0x2], $0x4000, $0x38;
	[tilespmem:$0x1E5A8] =	vst v63  }
0x83: {  	s30 =	simm.s32 $0x7A8  }
0x84: {  	[tilespmem:s21], [sflag:$0x1] =	stream.indirect.gather [spmem:s2], $0x80, s30, s18, $0xb8;
	[tilespmem:$0x1E5A8] =	vst v63  }
0x85: {  	_ =	swait.ge [sflag:s1], $0x4000  }
0x86: {  	s14 =	smov.u32 s28;
	s24 =	simm.s32 $0xC00;
	[sflag:s1] =	ssyncset.done $0x0  }
.LBB2_2:
0x87: {  	p1 =	sne.s32 s24, $0x17400;
	[sflag:s1] =	ssyncadd.s32 $0xFFFFC000;
	s14 =	sadd.s32 $0x3000, s14  }
0x88: {  	s30 =	smov.u32 s24;
	s24 =	sadd.s32 $0xC00, s24  }
0x89: {  	_ =	swait.ge [sflag:s26], $0x4000  }
0x8a: {  	[sflag:s26] =	ssyncset.done $0x0  }
0x8b: {  	s0 =	sadd.s32 $0xFFFFF800, s14;
	s30 =	sshra.s32 s30, $0x2;
	[sflag:s26] =	ssyncadd.s32 $0xFFFFC000  }
0x8c: {  	[hbm4b:s0+s3] =	stream.linear.scatter [tilespmem:s29], [sflag:$0x2], $0x4000, $0x38;
	[tilespmem:$0x1E5A8] =	vst v63  }
0x8d: {  	s0 =	sadd.s32 $0x528, s30  }
0x8e: {  	[tilespmem:s23], [sflag:$0x1] =	stream.indirect.gather [spmem:s2], $0x80, s0, s18, $0xb8;
	[tilespmem:$0x1E5A8] =	vst v63  }
0x8f: {  	_ =	swait.ge [sflag:s1], $0x4000  }
0x90: {  	[sflag:s1] =	ssyncset.done $0x0  }
0x91: {  	[sflag:s1] =	ssyncadd.s32 $0xFFFFC000  }
0x92: {  	_ =	swait.ge [sflag:s26], $0x4000  }
0x93: {  	[sflag:s26] =	ssyncset.done $0x0  }
0x94: {  	[sflag:s26] =	ssyncadd.s32 $0xFFFFC000  }
0x95: {  	[hbm4b:s14+s3] =	stream.linear.scatter [tilespmem:s31], [sflag:$0x2], $0x4000, $0x38;
	[tilespmem:$0x1E5A8] =	vst v63  }
0x96: {  	s0 =	sadd.s32 $0x5A8, s30  }
0x97: {  	[tilespmem:s25], [sflag:$0x1] =	stream.indirect.gather [spmem:s2], $0x80, s0, s18, $0xb8;
	[tilespmem:$0x1E5A8] =	vst v63  }
0x98: {  	_ =	swait.ge [sflag:s1], $0x4000  }
0x99: {  	[sflag:s1] =	ssyncset.done $0x0  }
0x9a: {  	[sflag:s1] =	ssyncadd.s32 $0xFFFFC000  }
0x9b: {  	_ =	swait.ge [sflag:s26], $0x4000  }
0x9c: {  	[sflag:s26] =	ssyncset.done $0x0  }
0x9d: {  	s0 =	sadd.s32 $0x800, s14;
	[sflag:s26] =	ssyncadd.s32 $0xFFFFC000  }
0x9e: {  	[hbm4b:s0+s3] =	stream.linear.scatter [tilespmem:s19], [sflag:$0x2], $0x4000, $0x38;
	[tilespmem:$0x1E5A8] =	vst v63  }
0x9f: {  	s0 =	sadd.s32 $0x628, s30  }
0xa0: {  	[tilespmem:s29], [sflag:$0x1] =	stream.indirect.gather [spmem:s2], $0x80, s0, s18, $0xb8;
	[tilespmem:$0x1E5A8] =	vst v63  }
0xa1: {  	_ =	swait.ge [sflag:s1], $0x4000  }
0xa2: {  	[sflag:s1] =	ssyncset.done $0x0  }
0xa3: {  	[sflag:s1] =	ssyncadd.s32 $0xFFFFC000  }
0xa4: {  	_ =	swait.ge [sflag:s26], $0x4000  }
0xa5: {  	[sflag:s26] =	ssyncset.done $0x0  }
0xa6: {  	s0 =	sadd.s32 $0x1000, s14;
	[sflag:s26] =	ssyncadd.s32 $0xFFFFC000  }
0xa7: {  	[hbm4b:s0+s3] =	stream.linear.scatter [tilespmem:s21], [sflag:$0x2], $0x4000, $0x38;
	[tilespmem:$0x1E5A8] =	vst v63  }
0xa8: {  	s0 =	sadd.s32 $0x6A8, s30  }
0xa9: {  	[tilespmem:s31], [sflag:$0x1] =	stream.indirect.gather [spmem:s2], $0x80, s0, s18, $0xb8;
	[tilespmem:$0x1E5A8] =	vst v63  }
0xaa: {  	_ =	swait.ge [sflag:s1], $0x4000  }
0xab: {  	[sflag:s1] =	ssyncset.done $0x0  }
0xac: {  	[sflag:s1] =	ssyncadd.s32 $0xFFFFC000  }
0xad: {  	_ =	swait.ge [sflag:s26], $0x4000  }
0xae: {  	[sflag:s26] =	ssyncset.done $0x0  }
0xaf: {  	s0 =	sadd.s32 $0x1800, s14;
	[sflag:s26] =	ssyncadd.s32 $0xFFFFC000  }
0xb0: {  	[hbm4b:s0+s3] =	stream.linear.scatter [tilespmem:s23], [sflag:$0x2], $0x4000, $0x38;
	[tilespmem:$0x1E5A8] =	vst v63  }
0xb1: {  	s0 =	sadd.s32 $0x728, s30  }
0xb2: {  	[tilespmem:s19], [sflag:$0x1] =	stream.indirect.gather [spmem:s2], $0x80, s0, s18, $0xb8;
	[tilespmem:$0x1E5A8] =	vst v63  }
0xb3: {  	_ =	swait.ge [sflag:s1], $0x4000  }
0xb4: {  	[sflag:s1] =	ssyncset.done $0x0  }
0xb5: {  	[sflag:s1] =	ssyncadd.s32 $0xFFFFC000  }
0xb6: {  	_ =	swait.ge [sflag:s26], $0x4000  }
0xb7: {  	[sflag:s26] =	ssyncset.done $0x0  }
0xb8: {  	s0 =	sadd.s32 $0x2000, s14;
	[sflag:s26] =	ssyncadd.s32 $0xFFFFC000  }
0xb9: {  	[hbm4b:s0+s3] =	stream.linear.scatter [tilespmem:s25], [sflag:$0x2], $0x4000, $0x38;
	[tilespmem:$0x1E5A8] =	vst v63  }
.Ltmp0:
0xba: {  	_ = 	snop;
	(pc) =	sbr.rel @p1 .LBB2_2-.Ltmp0, $4  }
0xbb: {  	s0 =	sadd.s32 $0x7A8, s30  }
0xbc: {  	[tilespmem:s21], [sflag:$0x1] =	stream.indirect.gather [spmem:s2], $0x80, s0, s18, $0xb8;
	[tilespmem:$0x1E5A8] =	vst v63  }
0xbd: {  	_ =	swait.ge [sflag:s1], $0x4000  }
0xbe: {  	[sflag:s1] =	ssyncset.done $0x0  }
0xbf: {  	[sflag:s1] =	ssyncadd.s32 $0xFFFFC000  }
0xc0: {  	_ =	swait.ge [sflag:s26], $0x4000  }
0xc1: {  	[sflag:s26] =	ssyncset.done $0x0  }
0xc2: {  	[sflag:s26] =	ssyncadd.s32 $0xFFFFC000  }
0xc3: {  	[hbm4b:s9+s3] =	stream.linear.scatter [tilespmem:s29], [sflag:$0x2], $0x4000, $0x38;
	[tilespmem:$0x1E5A8] =	vst v63  }
0xc4: {  	_ =	swait.ge [sflag:s1], $0x4000  }
0xc5: {  	[sflag:s1] =	ssyncset.done $0x0  }
0xc6: {  	[sflag:s1] =	ssyncadd.s32 $0xFFFFC000  }
0xc7: {  	_ =	swait.ge [sflag:s26], $0x4000  }
0xc8: {  	[sflag:s26] =	ssyncset.done $0x0  }
0xc9: {  	[sflag:s26] =	ssyncadd.s32 $0xFFFFC000  }
0xca: {  	[hbm4b:s10+s3] =	stream.linear.scatter [tilespmem:s31], [sflag:$0x2], $0x4000, $0x38;
	[tilespmem:$0x1E5A8] =	vst v63  }
0xcb: {  	_ =	swait.ge [sflag:s1], $0x4000  }
0xcc: {  	[sflag:s1] =	ssyncset.done $0x0  }
0xcd: {  	[sflag:s1] =	ssyncadd.s32 $0xFFFFC000  }
0xce: {  	_ =	swait.ge [sflag:s26], $0x4000  }
0xcf: {  	[sflag:s26] =	ssyncset.done $0x0  }
0xd0: {  	[sflag:s26] =	ssyncadd.s32 $0xFFFFC000  }
0xd1: {  	[hbm4b:s11+s3] =	stream.linear.scatter [tilespmem:s19], [sflag:$0x2], $0x4000, $0x38;
	[tilespmem:$0x1E5A8] =	vst v63  }
0xd2: {  	_ =	swait.ge [sflag:s1], $0x4000  }
0xd3: {  	[sflag:s1] =	ssyncset.done $0x0  }
0xd4: {  	[sflag:s1] =	ssyncadd.s32 $0xFFFFC000  }
0xd5: {  	_ =	swait.ge [sflag:s26], $0x4000  }
0xd6: {  	[sflag:s26] =	ssyncset.done $0x0  }
0xd7: {  	s22 =	sadd.s32 $0x1, s22;
	[sflag:s26] =	ssyncadd.s32 $0xFFFFC000  }
0xd8: {  	[hbm4b:s12+s3] =	stream.linear.scatter [tilespmem:s21], [sflag:$0x2], $0x4000, $0x38;
	[tilespmem:$0x1E5A8] =	vst v63  }
0xd9: {  	p1 =	sne.s32 s22, s13;
	_ =	swait.ge [sflag:s1], $0x4000  }
.Ltmp1:
0xda: {  	[sflag:s1] =	ssyncset.done $0x0;
	(pc) =	sbr.rel @p1 .LBB2_1-.Ltmp1, $4  }
0xdb: {  	[sflag:s1] =	ssyncadd.s32 $0xFFFFC000  }
0xdc: {  	_ =	swait.ge [sflag:s1], $0x4000  }
0xdd: {  	[sflag:s1] =	ssyncset.done $0x0  }
0xde: {  	[sflag:s1] =	ssyncadd.s32 $0xFFFFC000  }
0xdf: {  	_ =	sfence.sel $0x180000  }
0xe0: {  	[bflag:$0x0] =	sbarrier.arrive $0xFFFF  }
0xe1: {  	_ =	strace $0x90000047  }
0xe2: {  	[bflag:$0x2] =	sbarrier.arrive $0xFFFF  }
0xe3: {  	s0 =	rddreg [dreg:$0x4]  }
0xe4: {  	s0 =	sadd.s32 @!p0 $0x100000, s0  }
0xe5: {  	[sflag:s0] =	ssyncadd.tile.s32 @!p0 $0x1;
	_ =	shalt  }
.Lfunc_end2:
_tile_overlayer_lowered:
.L_overlay_start_2:
0xe6: {  	(tag) =	ssettag $0x2  }
0xe7: {  	s0 =	rddreg [dreg:$0x0];
	s2 =	stileid.u32  }
0xe8: {  	s1 =	rddreg [dreg:$0x1];
	p0 =	sne.s32 s2, $0x0  }
0xe9: {  	s3 =	rddreg [dreg:$0x2];
	[bflag:$0x3] =	sbarrier.arrive $0xFFFF;
	s2 =	simm.s32 @!p0 $0x1C03  }
0xea: {  	[timem:s3], [sflag:s2] =	dma.local @!p0 [hbm:s0], s1  }
0xeb: {  	s0 =	simm.s32 @!p0 $0x3  }
0xec: {  	_ =	swait.ge @!p0 [sflag:s0], s1  }
0xed: {  	s1 =	ssub.s32 @!p0 $0x0, s1;
	[sflag:s0] =	ssyncset.done @!p0 $0x0  }
0xee: {  	[sflag:s0] =	ssyncadd.s32 @!p0 s1  }
0xef: {  	[bflag:$0x3] =	sbarrier.arrive $0xFFFF  }
0xf0: {  	_ =	shalt  }

</sc_bundles>
